<compile_context>
chip_gen: v7x
topology: tpu7x:2x2x1
jax: 0.10.2.dev20260603
libtpu: 0.0.44.dev20260713+nightly
codegen_flags: <defaults>
</compile_context>

<pallas_src>
import jax
import jax.numpy as jnp
import numpy as np
from jax import lax
from jax.experimental import pallas as pl
from jax.experimental.pallas import tpu as pltpu
from jax.experimental.pallas import tpu_sc as plsc

N_NODES = 32768
N_SAMPLES = 4
N_TILES = 32
SC_N = 4096
TC_N = N_NODES - SC_N
TC_BLOCK_R = 32
TC_STEPS = TC_N // (TC_BLOCK_R * 128)
TILE_N = SC_N // N_TILES
N_CHUNKS = TILE_N // 16

_ROT0 = (13, 15, 26, 6)
_ROT1 = (17, 29, 16, 24)


def _np_threefry2x32(ks0, ks1, x0, x1):
    ks0 = np.uint32(ks0)
    ks1 = np.uint32(ks1)
    ks2 = np.uint32(ks0 ^ ks1 ^ np.uint32(0x1BD11BDA))

    def rot(x, d):
        return ((x << np.uint32(d)) | (x >> np.uint32(32 - d))).astype(np.uint32)

    def rounds(x0, x1, rots):
        for r in rots:
            x0 = (x0 + x1).astype(np.uint32)
            x1 = rot(x1, r)
            x1 = (x1 ^ x0).astype(np.uint32)
        return x0, x1

    x0 = (x0 + ks0).astype(np.uint32)
    x1 = (x1 + ks1).astype(np.uint32)
    x0, x1 = rounds(x0, x1, _ROT0)
    x0 = (x0 + ks1).astype(np.uint32)
    x1 = (x1 + ks2 + np.uint32(1)).astype(np.uint32)
    x0, x1 = rounds(x0, x1, _ROT1)
    x0 = (x0 + ks2).astype(np.uint32)
    x1 = (x1 + ks0 + np.uint32(2)).astype(np.uint32)
    x0, x1 = rounds(x0, x1, _ROT0)
    x0 = (x0 + ks0).astype(np.uint32)
    x1 = (x1 + ks1 + np.uint32(3)).astype(np.uint32)
    x0, x1 = rounds(x0, x1, _ROT1)
    x0 = (x0 + ks1).astype(np.uint32)
    x1 = (x1 + ks2 + np.uint32(4)).astype(np.uint32)
    x0, x1 = rounds(x0, x1, _ROT0)
    x0 = (x0 + ks2).astype(np.uint32)
    x1 = (x1 + ks0 + np.uint32(5)).astype(np.uint32)
    return x0, x1


def _sample_keys():
    keys = []
    for i in range(N_SAMPLES):
        a, b = _np_threefry2x32(
            np.uint32(0), np.uint32(1234),
            np.array([0], np.uint32), np.array([i], np.uint32))
        keys.append((int(a[0]), int(b[0])))
    return keys


_KEYS = _sample_keys()


def _precompute_uniforms():
    idx = np.arange(N_NODES, dtype=np.uint32)
    zero = np.zeros(N_NODES, np.uint32)
    us = []
    for (k0, k1) in _KEYS:
        o0, o1 = _np_threefry2x32(k0, k1, zero, idx)
        bits = o0 ^ o1
        u = (((bits >> np.uint32(9)) | np.uint32(0x3F800000)).view(np.float32)
             - np.float32(1.0))
        us.append(u)
    return np.stack(us)


_UNIFORMS = _precompute_uniforms()
_U_SC = np.ascontiguousarray(
    _UNIFORMS[:, :SC_N].reshape(N_SAMPLES, N_TILES, TILE_N)
    .transpose(1, 0, 2)).reshape(-1)
_U_TC = np.ascontiguousarray(_UNIFORMS).reshape(N_SAMPLES, N_NODES // 128, 128)


def _vec_log(v):
    bits = lax.bitcast_convert_type(v, jnp.int32)
    e = ((bits >> 23) - 127).astype(jnp.float32)
    m = lax.bitcast_convert_type(
        (bits & 0x7FFFFF) | 0x3F800000, jnp.float32)
    adj = jnp.where(m > 1.41421356, 1.0, 0.0)
    m = m * (1.0 - 0.5 * adj)
    e = e + adj
    z = m - 1.0
    p = jnp.full(v.shape, 7.0376836292e-2, dtype=jnp.float32)
    for c in (-1.1514610310e-1, 1.1676998740e-1, -1.2420140846e-1,
              1.4249322787e-1, -1.6668057665e-1, 2.0000714765e-1,
              -2.4999993993e-1, 3.3333331174e-1):
        p = p * z + c
    zz = z * z
    y = z * zz * p - 0.5 * zz
    return z + y + e * 0.6931471805599453


def _sc_body(logits_hbm, targets_hbm, u_hbm, out_hbm,
             x_v, t_v, u_v, row_v, sem_x, sem_t, sem_u):
    info = plsc.get_sparse_core_info()
    nc = info.num_cores
    wid = lax.axis_index("s") * nc + lax.axis_index("c")
    base = wid * TILE_N

    cx = pltpu.async_copy(logits_hbm.at[pl.ds(base, TILE_N)], x_v, sem_x)
    ct = pltpu.async_copy(targets_hbm.at[pl.ds(base, TILE_N)], t_v, sem_t)
    cu = pltpu.async_copy(
        u_hbm.at[pl.ds(wid * N_SAMPLES * TILE_N, N_SAMPLES * TILE_N)],
        u_v, sem_u)
    cx.wait()
    ct.wait()
    cu.wait()

    zeros = jnp.zeros((16,), jnp.float32)

    def chunk(j, carry):
        accs = list(carry)
        off = j * 16
        x = x_v[pl.ds(off, 16)]
        t = t_v[pl.ds(off, 16)]
        v = 1.0 + jnp.exp(-x)
        mu = 1.0 / v
        lse = _vec_log(v)
        lp1 = -lse
        lp0 = -x - lse
        tposf = jnp.where(t == 1, 1.0, 0.0)
        for s in range(N_SAMPLES):
            u = u_v[pl.ds(s * TILE_N + off, 16)]
            yf = jnp.where(u < mu, 1.0, 0.0)
            accs[s] = accs[s] + (lp0 + yf * (lp1 - lp0))
            accs[N_SAMPLES + s] = accs[N_SAMPLES + s] + yf
            accs[2 * N_SAMPLES + s] = jnp.maximum(
                accs[2 * N_SAMPLES + s], tposf * (1.0 - yf))
        return tuple(accs)

    init = tuple(zeros for _ in range(3 * N_SAMPLES))
    accs = lax.fori_loop(0, N_CHUNKS, chunk, init)

    for k in range(3 * N_SAMPLES):
        row_v[k, :] = accs[k]
    pltpu.sync_copy(row_v, out_hbm.at[wid])


def _tc_body(x_ref, t_ref, u_ref, o_ref):
    i = pl.program_id(0)
    x = x_ref[...]
    t = t_ref[...]
    v = 1.0 + jnp.exp(-x)
    mu = 1.0 / v
    lse = jnp.log(v)
    lp1 = -lse
    lp0 = -x - lse
    tposf = jnp.where(t == 1, 1.0, 0.0)
    lp_rows, kept_rows, miss_rows = [], [], []
    for s in range(N_SAMPLES):
        u = u_ref[s]
        yf = jnp.where(u < mu, 1.0, 0.0)
        lp_rows.append(jnp.sum(lp0 + yf * (lp1 - lp0), axis=0, keepdims=True))
        kept_rows.append(jnp.sum(yf, axis=0, keepdims=True))
        miss_rows.append(jnp.max(tposf * (1.0 - yf), axis=0, keepdims=True))
    new = jnp.concatenate(lp_rows + kept_rows + miss_rows, axis=0)

    @pl.when(i == 0)
    def _init():
        o_ref[...] = new

    @pl.when(i > 0)
    def _accum():
        prev = o_ref[...]
        row_i = lax.broadcasted_iota(jnp.int32, (3 * N_SAMPLES, 128), 0)
        o_ref[...] = jnp.where(row_i < 2 * N_SAMPLES,
                               prev + new, jnp.maximum(prev, new))


def _combine_body(a_ref, b_ref, o_ref):
    a = a_ref[...]
    b = b_ref[...]
    total = jnp.float32(0.0)
    inv_n = jnp.float32(1.0 / N_NODES)
    for s in range(N_SAMPLES):
        lp = jnp.sum(a[:, s, :]) + jnp.sum(b[s, :])
        kept = jnp.sum(a[:, N_SAMPLES + s, :]) + jnp.sum(b[N_SAMPLES + s, :])
        missed = jnp.maximum(jnp.max(a[:, 2 * N_SAMPLES + s, :]),
                             jnp.max(b[2 * N_SAMPLES + s, :]))
        frac = kept * inv_n
        loss_val = jnp.where(missed > 0.0, jnp.float32(1.0), frac * frac)
        total = total + loss_val * lp
    o_ref[...] = jnp.broadcast_to(total * jnp.float32(1.0 / N_SAMPLES), (1, 1))


@jax.jit
def kernel(logits, targets):
    x = logits.reshape(N_NODES).astype(jnp.float32)
    t = targets.reshape(N_NODES).astype(jnp.int32)

    mesh = plsc.VectorSubcoreMesh(core_axis_name="c", subcore_axis_name="s")
    sc_partials = pl.kernel(
        _sc_body,
        mesh=mesh,
        out_type=jax.ShapeDtypeStruct((N_TILES, 3 * N_SAMPLES, 16), jnp.float32),
        scratch_types=[
            pltpu.VMEM((TILE_N,), jnp.float32),
            pltpu.VMEM((TILE_N,), jnp.int32),
            pltpu.VMEM((N_SAMPLES * TILE_N,), jnp.float32),
            pltpu.VMEM((3 * N_SAMPLES, 16), jnp.float32),
            pltpu.SemaphoreType.DMA,
            pltpu.SemaphoreType.DMA,
            pltpu.SemaphoreType.DMA,
        ],
    )(x, t, jnp.asarray(_U_SC))

    skip = SC_N // (TC_BLOCK_R * 128)
    tc_partials = pl.pallas_call(
        _tc_body,
        grid=(TC_STEPS,),
        in_specs=[
            pl.BlockSpec((TC_BLOCK_R, 128), lambda i: (i + skip, 0)),
            pl.BlockSpec((TC_BLOCK_R, 128), lambda i: (i + skip, 0)),
            pl.BlockSpec((N_SAMPLES, TC_BLOCK_R, 128), lambda i: (0, i + skip, 0)),
        ],
        out_specs=pl.BlockSpec((3 * N_SAMPLES, 128), lambda i: (0, 0)),
        out_shape=jax.ShapeDtypeStruct((3 * N_SAMPLES, 128), jnp.float32),
    )(x.reshape(N_NODES // 128, 128), t.reshape(N_NODES // 128, 128),
      jnp.asarray(_U_TC))

    out = pl.pallas_call(
        _combine_body,
        out_shape=jax.ShapeDtypeStruct((1, 1), jnp.float32),
    )(sc_partials, tc_partials)
    return out[0, 0]

# --- scband reference (transcript-rebuilt; emitter-appended) ---
"""Pipeline reference for scband-grapemustplanning-loss-63471026700823 (READ-ONLY COPY).

The authoritative reference and input builder live on the scoring server;
editing this copy changes nothing except your own understanding.
"""

import jax, jax.numpy as jnp
import numpy as np

N_SAMPLES = 4
TOTAL_NODES = 32768


def setup_inputs(seed: int = 0) -> dict:
    key = jax.random.key(seed)
    k1, k2 = jax.random.split(key)
    logits = jax.random.normal(k1, (TOTAL_NODES, 1), dtype=jnp.float32)
    targets = jax.random.randint(k2, (TOTAL_NODES, 1), 0, 2)
    return {"logits": logits, "targets": targets}


def _per_graph_loss(y, t):
    n_total = jnp.asarray(y.shape[0], dtype=jnp.float32)
    n_kept = y.sum()
    missed_positive = jnp.any((t == 1.0) & (y == 0.0))
    return jnp.where(missed_positive, jnp.float32(1.0), (n_kept / n_total) ** 2)


def reference(logits, targets):
    mu = jax.nn.sigmoid(logits).squeeze(-1)
    targets_flat = targets.squeeze(-1).astype(jnp.float32)
    sample_key = jax.random.key(1234)
    total_loss = jnp.float32(0.0)
    for i in range(N_SAMPLES):
        k = jax.random.fold_in(sample_key, i)
        u = jax.random.uniform(k, mu.shape, dtype=jnp.float32)
        y = (u < mu).astype(jnp.float32)
        # Bernoulli log_prob with probs parameterization
        log_probs = y * jnp.log(mu) + (1.0 - y) * jnp.log1p(-mu)
        loss_val = _per_graph_loss(y, targets_flat)
        sample_loss = jax.lax.stop_gradient(loss_val) * log_probs.sum()
        total_loss = total_loss + sample_loss
    return total_loss / N_SAMPLES

if __name__ == "__main__":
    import jax
    _d = setup_inputs()
    print(jax.jit(kernel)(*tuple(_d.values())))

</pallas_src>

<mosaic_0001>
#map = affine_map<(d0, d1) -> (0)>
#map1 = affine_map<(d0, d1) -> (0, 0, 0)>
module attributes {stable_mosaic.version = 14 : i64} {
  func.func @_sc_body(%arg0: i32, %arg1: i32, %arg2: memref<32768xf32, #tpu.memory_space<hbm>>, %arg3: memref<32768xi32, #tpu.memory_space<hbm>>, %arg4: memref<16384xf32, #tpu.memory_space<hbm>>, %arg5: memref<32x12x16xf32, #tpu.memory_space<hbm>>, %arg6: memref<128xf32, #tpu.memory_space<vmem>>, %arg7: memref<128xi32, #tpu.memory_space<vmem>>, %arg8: memref<512xf32, #tpu.memory_space<vmem>>, %arg9: memref<12x16xf32, #tpu.memory_space<vmem>>, %arg10: memref<!tpu.dma_semaphore, #tpu.memory_space<semaphore_mem>>, %arg11: memref<!tpu.dma_semaphore, #tpu.memory_space<semaphore_mem>>, %arg12: memref<!tpu.dma_semaphore, #tpu.memory_space<semaphore_mem>>) attributes {dimension_semantics = [#tpu.dimension_semantics<core_parallel>, #tpu.dimension_semantics<subcore_parallel>], iteration_bounds = array<i64: 2, 16>, scalar_prefetch = 0 : i64, scratch_operands = 7 : i64, tpu.core_type = #tpu.core_type<sc_vector_subcore>, window_params = [{transform_indices = #map}, {transform_indices = #map}, {transform_indices = #map}, {transform_indices = #map1}]} {
    %mul3A = arith.constant 2 : i32
    %mul3A_0 = arith.muli %arg1, %mul3A : i32
    %add3A = arith.addi %mul3A_0, %arg0 : i32
    %mul3A_1 = arith.constant 128 : i32
    %mul3A_2 = arith.muli %add3A, %mul3A_1 : i32
    %dma_start3A = tpu.memref_slice %arg2[%mul3A_2] : memref<32768xf32, #tpu.memory_space<hbm>> -> memref<128xf32, #tpu.memory_space<hbm>>
    %dma_start3A_3 = tpu.memref_slice %arg2[%mul3A_2] : memref<32768xf32, #tpu.memory_space<hbm>> -> memref<128xf32, #tpu.memory_space<hbm>>
    tpu.enqueue_dma source(%dma_start3A_3 : memref<128xf32, #tpu.memory_space<hbm>>) target(%arg6 : memref<128xf32, #tpu.memory_space<vmem>>) target_semaphore(%arg10 : memref<!tpu.dma_semaphore, #tpu.memory_space<semaphore_mem>>)
    %dma_start3A_4 = tpu.memref_slice %arg3[%mul3A_2] : memref<32768xi32, #tpu.memory_space<hbm>> -> memref<128xi32, #tpu.memory_space<hbm>>
    %dma_start3A_5 = tpu.memref_slice %arg3[%mul3A_2] : memref<32768xi32, #tpu.memory_space<hbm>> -> memref<128xi32, #tpu.memory_space<hbm>>
    tpu.enqueue_dma source(%dma_start3A_5 : memref<128xi32, #tpu.memory_space<hbm>>) target(%arg7 : memref<128xi32, #tpu.memory_space<vmem>>) target_semaphore(%arg11 : memref<!tpu.dma_semaphore, #tpu.memory_space<semaphore_mem>>)
    %mul3A_6 = arith.constant 4 : i32
    %mul3A_7 = arith.muli %add3A, %mul3A_6 : i32
    %mul3A_8 = arith.constant 128 : i32
    %mul3A_9 = arith.muli %mul3A_7, %mul3A_8 : i32
    %dma_start3A_10 = tpu.memref_slice %arg4[%mul3A_9] : memref<16384xf32, #tpu.memory_space<hbm>> -> memref<512xf32, #tpu.memory_space<hbm>>
    %dma_start3A_11 = tpu.memref_slice %arg4[%mul3A_9] : memref<16384xf32, #tpu.memory_space<hbm>> -> memref<512xf32, #tpu.memory_space<hbm>>
    tpu.enqueue_dma source(%dma_start3A_11 : memref<512xf32, #tpu.memory_space<hbm>>) target(%arg8 : memref<512xf32, #tpu.memory_space<vmem>>) target_semaphore(%arg12 : memref<!tpu.dma_semaphore, #tpu.memory_space<semaphore_mem>>)
    %dma_wait3A = tpu.memref_slice %arg2[%mul3A_2] : memref<32768xf32, #tpu.memory_space<hbm>> -> memref<128xf32, #tpu.memory_space<hbm>>
    %dma_wait3A_12 = tpu.memref_slice %arg2[%mul3A_2] : memref<32768xf32, #tpu.memory_space<hbm>> -> memref<128xf32, #tpu.memory_space<hbm>>
    tpu.wait_dma2 semaphore(%arg10 : memref<!tpu.dma_semaphore, #tpu.memory_space<semaphore_mem>>) src(%dma_wait3A_12 : memref<128xf32, #tpu.memory_space<hbm>>) dst(%arg6 : memref<128xf32, #tpu.memory_space<vmem>>)
    %dma_wait3A_13 = tpu.memref_slice %arg3[%mul3A_2] : memref<32768xi32, #tpu.memory_space<hbm>> -> memref<128xi32, #tpu.memory_space<hbm>>
    %dma_wait3A_14 = tpu.memref_slice %arg3[%mul3A_2] : memref<32768xi32, #tpu.memory_space<hbm>> -> memref<128xi32, #tpu.memory_space<hbm>>
    tpu.wait_dma2 semaphore(%arg11 : memref<!tpu.dma_semaphore, #tpu.memory_space<semaphore_mem>>) src(%dma_wait3A_14 : memref<128xi32, #tpu.memory_space<hbm>>) dst(%arg7 : memref<128xi32, #tpu.memory_space<vmem>>)
    %dma_wait3A_15 = tpu.memref_slice %arg4[%mul3A_9] : memref<16384xf32, #tpu.memory_space<hbm>> -> memref<512xf32, #tpu.memory_space<hbm>>
    %dma_wait3A_16 = tpu.memref_slice %arg4[%mul3A_9] : memref<16384xf32, #tpu.memory_space<hbm>> -> memref<512xf32, #tpu.memory_space<hbm>>
    tpu.wait_dma2 semaphore(%arg12 : memref<!tpu.dma_semaphore, #tpu.memory_space<semaphore_mem>>) src(%dma_wait3A_16 : memref<512xf32, #tpu.memory_space<hbm>>) dst(%arg8 : memref<512xf32, #tpu.memory_space<vmem>>)
    %broadcast_in_dim3A = arith.constant 0.000000e+00 : f32
    %broadcast_in_dim3A_17 = vector.broadcast %broadcast_in_dim3A : f32 to vector<16xf32>
    %scan3A = arith.constant 0 : i32
    %scan3A_18 = arith.constant 8 : i32
    %scan3A_19 = arith.addi %scan3A, %scan3A_18 : i32
    %scan3A_20 = arith.constant 1 : i32
    %scan3A_21:12 = scf.for %scan3A_94 = %scan3A to %scan3A_19 step %scan3A_20 iter_args(%scan3A_95 = %broadcast_in_dim3A_17, %scan3A_96 = %broadcast_in_dim3A_17, %scan3A_97 = %broadcast_in_dim3A_17, %scan3A_98 = %broadcast_in_dim3A_17, %scan3A_99 = %broadcast_in_dim3A_17, %scan3A_100 = %broadcast_in_dim3A_17, %scan3A_101 = %broadcast_in_dim3A_17, %scan3A_102 = %broadcast_in_dim3A_17, %scan3A_103 = %broadcast_in_dim3A_17, %scan3A_104 = %broadcast_in_dim3A_17, %scan3A_105 = %broadcast_in_dim3A_17, %scan3A_106 = %broadcast_in_dim3A_17) -> (vector<16xf32>, vector<16xf32>, vector<16xf32>, vector<16xf32>, vector<16xf32>, vector<16xf32>, vector<16xf32>, vector<16xf32>, vector<16xf32>, vector<16xf32>, vector<16xf32>, vector<16xf32>)  : i32 {
      %mul3A_107 = arith.constant 16 : i32
      %mul3A_108 = arith.muli %scan3A_94, %mul3A_107 : i32
      %get3A = arith.index_cast %mul3A_108 : i32 to index
      %get3A_109 = tpu.vector_load %arg6[%get3A] {strides = array<i32>} : memref<128xf32, #tpu.memory_space<vmem>>, vector<16xf32>,
      %get3A_110 = vector.shape_cast %get3A_109 : vector<16xf32> to vector<16xf32>
      %get3A_111 = arith.index_cast %mul3A_108 : i32 to index
      %get3A_112 = tpu.vector_load %arg7[%get3A_111] {strides = array<i32>} : memref<128xi32, #tpu.memory_space<vmem>>, vector<16xi32>,
      %get3A_113 = vector.shape_cast %get3A_112 : vector<16xi32> to vector<16xi32>
      %neg3A = arith.constant 0.000000e+00 : f32
      %neg3A_114 = vector.broadcast %neg3A : f32 to vector<16xf32>
      %neg3A_115 = arith.subf %neg3A_114, %get3A_110 : vector<16xf32>
      %exp3A = math.exp %neg3A_115 : vector<16xf32>
      %add3A_116 = arith.constant 1.000000e+00 : f32
      %add3A_117 = vector.broadcast %add3A_116 : f32 to vector<16xf32>
      %add3A_118 = arith.addf %add3A_117, %exp3A : vector<16xf32>
      %div3A = arith.constant 1.000000e+00 : f32
      %div3A_119 = vector.broadcast %div3A : f32 to vector<16xf32>
      %div3A_120 = arith.divf %div3A_119, %add3A_118 : vector<16xf32>
      %bitcast_convert_type3A = tpu.bitcast %add3A_118 : vector<16xf32> -> vector<16xi32>
      %shift_right_arithmetic3A = arith.constant 23 : i32
      %shift_right_arithmetic3A_121 = vector.broadcast %shift_right_arithmetic3A : i32 to vector<16xi32>
      %shift_right_arithmetic3A_122 = arith.shrsi %bitcast_convert_type3A, %shift_right_arithmetic3A_121 : vector<16xi32>
      %sub3A = arith.constant 127 : i32
      %sub3A_123 = vector.broadcast %sub3A : i32 to vector<16xi32>
      %sub3A_124 = arith.subi %shift_right_arithmetic3A_122, %sub3A_123 : vector<16xi32>
      %convert_element_type3A = arith.sitofp %sub3A_124 : vector<16xi32> to vector<16xf32>
      %and3A = arith.constant 8388607 : i32
      %and3A_125 = vector.broadcast %and3A : i32 to vector<16xi32>
      %and3A_126 = arith.andi %bitcast_convert_type3A, %and3A_125 : vector<16xi32>
      %or3A = arith.constant 1065353216 : i32
      %or3A_127 = vector.broadcast %or3A : i32 to vector<16xi32>
      %or3A_128 = arith.ori %and3A_126, %or3A_127 : vector<16xi32>
      %bitcast_convert_type3A_129 = tpu.bitcast %or3A_128 : vector<16xi32> -> vector<16xf32>
      %gt3A = arith.constant 1.41421354 : f32
      %gt3A_130 = vector.broadcast %gt3A : f32 to vector<16xf32>
      %gt3A_131 = arith.cmpf ogt, %bitcast_convert_type3A_129, %gt3A_130 : vector<16xf32>
      %jit3A = arith.constant 1.000000e+00 : f32
      %jit3A_132 = arith.constant 0.000000e+00 : f32
      %broadcast_in_dim3A_133 = vector.broadcast %jit3A : f32 to vector<16xf32>
      %broadcast_in_dim3A_134 = vector.broadcast %jit3A_132 : f32 to vector<16xf32>
      %select_n3A = arith.select %gt3A_131, %broadcast_in_dim3A_133, %broadcast_in_dim3A_134 : vector<16xi1>, vector<16xf32>
      %mul3A_135 = arith.constant 5.000000e-01 : f32
      %mul3A_136 = vector.broadcast %mul3A_135 : f32 to vector<16xf32>
      %mul3A_137 = arith.mulf %mul3A_136, %select_n3A : vector<16xf32>
      %sub3A_138 = arith.constant 1.000000e+00 : f32
      %sub3A_139 = vector.broadcast %sub3A_138 : f32 to vector<16xf32>
      %sub3A_140 = arith.subf %sub3A_139, %mul3A_137 : vector<16xf32>
      %mul3A_141 = arith.mulf %bitcast_convert_type3A_129, %sub3A_140 : vector<16xf32>
      %add3A_142 = arith.addf %convert_element_type3A, %select_n3A : vector<16xf32>
      %sub3A_143 = arith.constant 1.000000e+00 : f32
      %sub3A_144 = vector.broadcast %sub3A_143 : f32 to vector<16xf32>
      %sub3A_145 = arith.subf %mul3A_141, %sub3A_144 : vector<16xf32>
      %broadcast_in_dim3A_146 = arith.constant 0.0703768358 : f32
      %broadcast_in_dim3A_147 = vector.broadcast %broadcast_in_dim3A_146 : f32 to vector<16xf32>
      %mul3A_148 = arith.mulf %broadcast_in_dim3A_147, %sub3A_145 : vector<16xf32>
      %add3A_149 = arith.constant -0.115146101 : f32
      %add3A_150 = vector.broadcast %add3A_149 : f32 to vector<16xf32>
      %add3A_151 = arith.addf %mul3A_148, %add3A_150 : vector<16xf32>
      %mul3A_152 = arith.mulf %add3A_151, %sub3A_145 : vector<16xf32>
      %add3A_153 = arith.constant 0.116769984 : f32
      %add3A_154 = vector.broadcast %add3A_153 : f32 to vector<16xf32>
      %add3A_155 = arith.addf %mul3A_152, %add3A_154 : vector<16xf32>
      %mul3A_156 = arith.mulf %add3A_155, %sub3A_145 : vector<16xf32>
      %add3A_157 = arith.constant -0.12420141 : f32
      %add3A_158 = vector.broadcast %add3A_157 : f32 to vector<16xf32>
      %add3A_159 = arith.addf %mul3A_156, %add3A_158 : vector<16xf32>
      %mul3A_160 = arith.mulf %add3A_159, %sub3A_145 : vector<16xf32>
      %add3A_161 = arith.constant 0.142493233 : f32
      %add3A_162 = vector.broadcast %add3A_161 : f32 to vector<16xf32>
      %add3A_163 = arith.addf %mul3A_160, %add3A_162 : vector<16xf32>
      %mul3A_164 = arith.mulf %add3A_163, %sub3A_145 : vector<16xf32>
      %add3A_165 = arith.constant -0.166680574 : f32
      %add3A_166 = vector.broadcast %add3A_165 : f32 to vector<16xf32>
      %add3A_167 = arith.addf %mul3A_164, %add3A_166 : vector<16xf32>
      %mul3A_168 = arith.mulf %add3A_167, %sub3A_145 : vector<16xf32>
      %add3A_169 = arith.constant 0.200007141 : f32
      %add3A_170 = vector.broadcast %add3A_169 : f32 to vector<16xf32>
      %add3A_171 = arith.addf %mul3A_168, %add3A_170 : vector<16xf32>
      %mul3A_172 = arith.mulf %add3A_171, %sub3A_145 : vector<16xf32>
      %add3A_173 = arith.constant -0.24999994 : f32
      %add3A_174 = vector.broadcast %add3A_173 : f32 to vector<16xf32>
      %add3A_175 = arith.addf %mul3A_172, %add3A_174 : vector<16xf32>
      %mul3A_176 = arith.mulf %add3A_175, %sub3A_145 : vector<16xf32>
      %add3A_177 = arith.constant 0.333333313 : f32
      %add3A_178 = vector.broadcast %add3A_177 : f32 to vector<16xf32>
      %add3A_179 = arith.addf %mul3A_176, %add3A_178 : vector<16xf32>
      %mul3A_180 = arith.mulf %sub3A_145, %sub3A_145 : vector<16xf32>
      %mul3A_181 = arith.mulf %sub3A_145, %mul3A_180 : vector<16xf32>
      %mul3A_182 = arith.mulf %mul3A_181, %add3A_179 : vector<16xf32>
      %mul3A_183 = arith.constant 5.000000e-01 : f32
      %mul3A_184 = vector.broadcast %mul3A_183 : f32 to vector<16xf32>
      %mul3A_185 = arith.mulf %mul3A_184, %mul3A_180 : vector<16xf32>
      %sub3A_186 = arith.subf %mul3A_182, %mul3A_185 : vector<16xf32>
      %add3A_187 = arith.addf %sub3A_145, %sub3A_186 : vector<16xf32>
      %mul3A_188 = arith.constant 0.693147182 : f32
      %mul3A_189 = vector.broadcast %mul3A_188 : f32 to vector<16xf32>
      %mul3A_190 = arith.mulf %add3A_142, %mul3A_189 : vector<16xf32>
      %add3A_191 = arith.addf %add3A_187, %mul3A_190 : vector<16xf32>
      %neg3A_192 = arith.constant 0.000000e+00 : f32
      %neg3A_193 = vector.broadcast %neg3A_192 : f32 to vector<16xf32>
      %neg3A_194 = arith.subf %neg3A_193, %add3A_191 : vector<16xf32>
      %neg3A_195 = arith.constant 0.000000e+00 : f32
      %neg3A_196 = vector.broadcast %neg3A_195 : f32 to vector<16xf32>
      %neg3A_197 = arith.subf %neg3A_196, %get3A_110 : vector<16xf32>
      %sub3A_198 = arith.subf %neg3A_197, %add3A_191 : vector<16xf32>
      %eq3A = arith.constant 1 : i32
      %eq3A_199 = vector.broadcast %eq3A : i32 to vector<16xi32>
      %eq3A_200 = arith.cmpi eq, %get3A_113, %eq3A_199 : vector<16xi32>
      %jit3A_201 = arith.constant 1.000000e+00 : f32
      %jit3A_202 = arith.constant 0.000000e+00 : f32
      %broadcast_in_dim3A_203 = vector.broadcast %jit3A_201 : f32 to vector<16xf32>
      %broadcast_in_dim3A_204 = vector.broadcast %jit3A_202 : f32 to vector<16xf32>
      %select_n3A_205 = arith.select %eq3A_200, %broadcast_in_dim3A_203, %broadcast_in_dim3A_204 : vector<16xi1>, vector<16xf32>
      %add3A_206 = arith.constant 0 : i32
      %add3A_207 = arith.addi %add3A_206, %mul3A_108 : i32
      %get3A_208 = arith.index_cast %add3A_207 : i32 to index
      %get3A_209 = tpu.vector_load %arg8[%get3A_208] {strides = array<i32>} : memref<512xf32, #tpu.memory_space<vmem>>, vector<16xf32>,
      %get3A_210 = vector.shape_cast %get3A_209 : vector<16xf32> to vector<16xf32>
      %lt3A = arith.cmpf olt, %get3A_210, %div3A_120 : vector<16xf32>
      %jit3A_211 = arith.constant 1.000000e+00 : f32
      %jit3A_212 = arith.constant 0.000000e+00 : f32
      %broadcast_in_dim3A_213 = vector.broadcast %jit3A_211 : f32 to vector<16xf32>
      %broadcast_in_dim3A_214 = vector.broadcast %jit3A_212 : f32 to vector<16xf32>
      %select_n3A_215 = arith.select %lt3A, %broadcast_in_dim3A_213, %broadcast_in_dim3A_214 : vector<16xi1>, vector<16xf32>
      %sub3A_216 = arith.subf %neg3A_194, %sub3A_198 : vector<16xf32>
      %mul3A_217 = arith.mulf %select_n3A_215, %sub3A_216 : vector<16xf32>
      %add3A_218 = arith.addf %sub3A_198, %mul3A_217 : vector<16xf32>
      %add3A_219 = arith.addf %scan3A_95, %add3A_218 : vector<16xf32>
      %add3A_220 = arith.addf %scan3A_99, %select_n3A_215 : vector<16xf32>
      %sub3A_221 = arith.constant 1.000000e+00 : f32
      %sub3A_222 = vector.broadcast %sub3A_221 : f32 to vector<16xf32>
      %sub3A_223 = arith.subf %sub3A_222, %select_n3A_215 : vector<16xf32>
      %mul3A_224 = arith.mulf %select_n3A_205, %sub3A_223 : vector<16xf32>
      %max3A = arith.maximumf %scan3A_103, %mul3A_224 : vector<16xf32>
      %add3A_225 = arith.constant 128 : i32
      %add3A_226 = arith.addi %add3A_225, %mul3A_108 : i32
      %get3A_227 = arith.index_cast %add3A_226 : i32 to index
      %get3A_228 = tpu.vector_load %arg8[%get3A_227] {strides = array<i32>} : memref<512xf32, #tpu.memory_space<vmem>>, vector<16xf32>,
      %get3A_229 = vector.shape_cast %get3A_228 : vector<16xf32> to vector<16xf32>
      %lt3A_230 = arith.cmpf olt, %get3A_229, %div3A_120 : vector<16xf32>
      %jit3A_231 = arith.constant 1.000000e+00 : f32
      %jit3A_232 = arith.constant 0.000000e+00 : f32
      %broadcast_in_dim3A_233 = vector.broadcast %jit3A_231 : f32 to vector<16xf32>
      %broadcast_in_dim3A_234 = vector.broadcast %jit3A_232 : f32 to vector<16xf32>
      %select_n3A_235 = arith.select %lt3A_230, %broadcast_in_dim3A_233, %broadcast_in_dim3A_234 : vector<16xi1>, vector<16xf32>
      %sub3A_236 = arith.subf %neg3A_194, %sub3A_198 : vector<16xf32>
      %mul3A_237 = arith.mulf %select_n3A_235, %sub3A_236 : vector<16xf32>
      %add3A_238 = arith.addf %sub3A_198, %mul3A_237 : vector<16xf32>
      %add3A_239 = arith.addf %scan3A_96, %add3A_238 : vector<16xf32>
      %add3A_240 = arith.addf %scan3A_100, %select_n3A_235 : vector<16xf32>
      %sub3A_241 = arith.constant 1.000000e+00 : f32
      %sub3A_242 = vector.broadcast %sub3A_241 : f32 to vector<16xf32>
      %sub3A_243 = arith.subf %sub3A_242, %select_n3A_235 : vector<16xf32>
      %mul3A_244 = arith.mulf %select_n3A_205, %sub3A_243 : vector<16xf32>
      %max3A_245 = arith.maximumf %scan3A_104, %mul3A_244 : vector<16xf32>
      %add3A_246 = arith.constant 256 : i32
      %add3A_247 = arith.addi %add3A_246, %mul3A_108 : i32
      %get3A_248 = arith.index_cast %add3A_247 : i32 to index
      %get3A_249 = tpu.vector_load %arg8[%get3A_248] {strides = array<i32>} : memref<512xf32, #tpu.memory_space<vmem>>, vector<16xf32>,
      %get3A_250 = vector.shape_cast %get3A_249 : vector<16xf32> to vector<16xf32>
      %lt3A_251 = arith.cmpf olt, %get3A_250, %div3A_120 : vector<16xf32>
      %jit3A_252 = arith.constant 1.000000e+00 : f32
      %jit3A_253 = arith.constant 0.000000e+00 : f32
      %broadcast_in_dim3A_254 = vector.broadcast %jit3A_252 : f32 to vector<16xf32>
      %broadcast_in_dim3A_255 = vector.broadcast %jit3A_253 : f32 to vector<16xf32>
      %select_n3A_256 = arith.select %lt3A_251, %broadcast_in_dim3A_254, %broadcast_in_dim3A_255 : vector<16xi1>, vector<16xf32>
      %sub3A_257 = arith.subf %neg3A_194, %sub3A_198 : vector<16xf32>
      %mul3A_258 = arith.mulf %select_n3A_256, %sub3A_257 : vector<16xf32>
      %add3A_259 = arith.addf %sub3A_198, %mul3A_258 : vector<16xf32>
      %add3A_260 = arith.addf %scan3A_97, %add3A_259 : vector<16xf32>
      %add3A_261 = arith.addf %scan3A_101, %select_n3A_256 : vector<16xf32>
      %sub3A_262 = arith.constant 1.000000e+00 : f32
      %sub3A_263 = vector.broadcast %sub3A_262 : f32 to vector<16xf32>
      %sub3A_264 = arith.subf %sub3A_263, %select_n3A_256 : vector<16xf32>
      %mul3A_265 = arith.mulf %select_n3A_205, %sub3A_264 : vector<16xf32>
      %max3A_266 = arith.maximumf %scan3A_105, %mul3A_265 : vector<16xf32>
      %add3A_267 = arith.constant 384 : i32
      %add3A_268 = arith.addi %add3A_267, %mul3A_108 : i32
      %get3A_269 = arith.index_cast %add3A_268 : i32 to index
      %get3A_270 = tpu.vector_load %arg8[%get3A_269] {strides = array<i32>} : memref<512xf32, #tpu.memory_space<vmem>>, vector<16xf32>,
      %get3A_271 = vector.shape_cast %get3A_270 : vector<16xf32> to vector<16xf32>
      %lt3A_272 = arith.cmpf olt, %get3A_271, %div3A_120 : vector<16xf32>
      %jit3A_273 = arith.constant 1.000000e+00 : f32
      %jit3A_274 = arith.constant 0.000000e+00 : f32
      %broadcast_in_dim3A_275 = vector.broadcast %jit3A_273 : f32 to vector<16xf32>
      %broadcast_in_dim3A_276 = vector.broadcast %jit3A_274 : f32 to vector<16xf32>
      %select_n3A_277 = arith.select %lt3A_272, %broadcast_in_dim3A_275, %broadcast_in_dim3A_276 : vector<16xi1>, vector<16xf32>
      %sub3A_278 = arith.subf %neg3A_194, %sub3A_198 : vector<16xf32>
      %mul3A_279 = arith.mulf %select_n3A_277, %sub3A_278 : vector<16xf32>
      %add3A_280 = arith.addf %sub3A_198, %mul3A_279 : vector<16xf32>
      %add3A_281 = arith.addf %scan3A_98, %add3A_280 : vector<16xf32>
      %add3A_282 = arith.addf %scan3A_102, %select_n3A_277 : vector<16xf32>
      %sub3A_283 = arith.constant 1.000000e+00 : f32
      %sub3A_284 = vector.broadcast %sub3A_283 : f32 to vector<16xf32>
      %sub3A_285 = arith.subf %sub3A_284, %select_n3A_277 : vector<16xf32>
      %mul3A_286 = arith.mulf %select_n3A_205, %sub3A_285 : vector<16xf32>
      %max3A_287 = arith.maximumf %scan3A_106, %mul3A_286 : vector<16xf32>
      scf.yield %add3A_219, %add3A_239, %add3A_260, %add3A_281, %add3A_220, %add3A_240, %add3A_261, %add3A_282, %max3A, %max3A_245, %max3A_266, %max3A_287 : vector<16xf32>, vector<16xf32>, vector<16xf32>, vector<16xf32>, vector<16xf32>, vector<16xf32>, vector<16xf32>, vector<16xf32>, vector<16xf32>, vector<16xf32>, vector<16xf32>, vector<16xf32>
    }
    %scan3A_22 = arith.constant 8 : i32
    %swap3A = arith.constant 0 : i32
    %swap3A_23 = arith.index_cast %swap3A : i32 to index
    %swap3A_24 = arith.constant 0 : index
    %swap3A_25 = tpu.vector_load %arg9[%swap3A_23, %swap3A_24] {strides = array<i32>} : memref<12x16xf32, #tpu.memory_space<vmem>>, vector<1x16xf32>,
    %swap3A_26 = vector.shape_cast %swap3A_25 : vector<1x16xf32> to vector<16xf32>
    %swap3A_27 = vector.shape_cast %scan3A_21#0 : vector<16xf32> to vector<1x16xf32>
    tpu.vector_store %arg9[%swap3A_23, %swap3A_24], %swap3A_27 {strides = array<i32>} : memref<12x16xf32, #tpu.memory_space<vmem>>, vector<1x16xf32>,
    %swap3A_28 = arith.constant 1 : i32
    %swap3A_29 = arith.index_cast %swap3A_28 : i32 to index
    %swap3A_30 = arith.constant 0 : index
    %swap3A_31 = tpu.vector_load %arg9[%swap3A_29, %swap3A_30] {strides = array<i32>} : memref<12x16xf32, #tpu.memory_space<vmem>>, vector<1x16xf32>,
    %swap3A_32 = vector.shape_cast %swap3A_31 : vector<1x16xf32> to vector<16xf32>
    %swap3A_33 = vector.shape_cast %scan3A_21#1 : vector<16xf32> to vector<1x16xf32>
    tpu.vector_store %arg9[%swap3A_29, %swap3A_30], %swap3A_33 {strides = array<i32>} : memref<12x16xf32, #tpu.memory_space<vmem>>, vector<1x16xf32>,
    %swap3A_34 = arith.constant 2 : i32
    %swap3A_35 = arith.index_cast %swap3A_34 : i32 to index
    %swap3A_36 = arith.constant 0 : index
    %swap3A_37 = tpu.vector_load %arg9[%swap3A_35, %swap3A_36] {strides = array<i32>} : memref<12x16xf32, #tpu.memory_space<vmem>>, vector<1x16xf32>,
    %swap3A_38 = vector.shape_cast %swap3A_37 : vector<1x16xf32> to vector<16xf32>
    %swap3A_39 = vector.shape_cast %scan3A_21#2 : vector<16xf32> to vector<1x16xf32>
    tpu.vector_store %arg9[%swap3A_35, %swap3A_36], %swap3A_39 {strides = array<i32>} : memref<12x16xf32, #tpu.memory_space<vmem>>, vector<1x16xf32>,
    %swap3A_40 = arith.constant 3 : i32
    %swap3A_41 = arith.index_cast %swap3A_40 : i32 to index
    %swap3A_42 = arith.constant 0 : index
    %swap3A_43 = tpu.vector_load %arg9[%swap3A_41, %swap3A_42] {strides = array<i32>} : memref<12x16xf32, #tpu.memory_space<vmem>>, vector<1x16xf32>,
    %swap3A_44 = vector.shape_cast %swap3A_43 : vector<1x16xf32> to vector<16xf32>
    %swap3A_45 = vector.shape_cast %scan3A_21#3 : vector<16xf32> to vector<1x16xf32>
    tpu.vector_store %arg9[%swap3A_41, %swap3A_42], %swap3A_45 {strides = array<i32>} : memref<12x16xf32, #tpu.memory_space<vmem>>, vector<1x16xf32>,
    %swap3A_46 = arith.constant 4 : i32
    %swap3A_47 = arith.index_cast %swap3A_46 : i32 to index
    %swap3A_48 = arith.constant 0 : index
    %swap3A_49 = tpu.vector_load %arg9[%swap3A_47, %swap3A_48] {strides = array<i32>} : memref<12x16xf32, #tpu.memory_space<vmem>>, vector<1x16xf32>,
    %swap3A_50 = vector.shape_cast %swap3A_49 : vector<1x16xf32> to vector<16xf32>
    %swap3A_51 = vector.shape_cast %scan3A_21#4 : vector<16xf32> to vector<1x16xf32>
    tpu.vector_store %arg9[%swap3A_47, %swap3A_48], %swap3A_51 {strides = array<i32>} : memref<12x16xf32, #tpu.memory_space<vmem>>, vector<1x16xf32>,
    %swap3A_52 = arith.constant 5 : i32
    %swap3A_53 = arith.index_cast %swap3A_52 : i32 to index
    %swap3A_54 = arith.constant 0 : index
    %swap3A_55 = tpu.vector_load %arg9[%swap3A_53, %swap3A_54] {strides = array<i32>} : memref<12x16xf32, #tpu.memory_space<vmem>>, vector<1x16xf32>,
    %swap3A_56 = vector.shape_cast %swap3A_55 : vector<1x16xf32> to vector<16xf32>
    %swap3A_57 = vector.shape_cast %scan3A_21#5 : vector<16xf32> to vector<1x16xf32>
    tpu.vector_store %arg9[%swap3A_53, %swap3A_54], %swap3A_57 {strides = array<i32>} : memref<12x16xf32, #tpu.memory_space<vmem>>, vector<1x16xf32>,
    %swap3A_58 = arith.constant 6 : i32
    %swap3A_59 = arith.index_cast %swap3A_58 : i32 to index
    %swap3A_60 = arith.constant 0 : index
    %swap3A_61 = tpu.vector_load %arg9[%swap3A_59, %swap3A_60] {strides = array<i32>} : memref<12x16xf32, #tpu.memory_space<vmem>>, vector<1x16xf32>,
    %swap3A_62 = vector.shape_cast %swap3A_61 : vector<1x16xf32> to vector<16xf32>
    %swap3A_63 = vector.shape_cast %scan3A_21#6 : vector<16xf32> to vector<1x16xf32>
    tpu.vector_store %arg9[%swap3A_59, %swap3A_60], %swap3A_63 {strides = array<i32>} : memref<12x16xf32, #tpu.memory_space<vmem>>, vector<1x16xf32>,
    %swap3A_64 = arith.constant 7 : i32
    %swap3A_65 = arith.index_cast %swap3A_64 : i32 to index
    %swap3A_66 = arith.constant 0 : index
    %swap3A_67 = tpu.vector_load %arg9[%swap3A_65, %swap3A_66] {strides = array<i32>} : memref<12x16xf32, #tpu.memory_space<vmem>>, vector<1x16xf32>,
    %swap3A_68 = vector.shape_cast %swap3A_67 : vector<1x16xf32> to vector<16xf32>
    %swap3A_69 = vector.shape_cast %scan3A_21#7 : vector<16xf32> to vector<1x16xf32>
    tpu.vector_store %arg9[%swap3A_65, %swap3A_66], %swap3A_69 {strides = array<i32>} : memref<12x16xf32, #tpu.memory_space<vmem>>, vector<1x16xf32>,
    %swap3A_70 = arith.constant 8 : i32
    %swap3A_71 = arith.index_cast %swap3A_70 : i32 to index
    %swap3A_72 = arith.constant 0 : index
    %swap3A_73 = tpu.vector_load %arg9[%swap3A_71, %swap3A_72] {strides = array<i32>} : memref<12x16xf32, #tpu.memory_space<vmem>>, vector<1x16xf32>,
    %swap3A_74 = vector.shape_cast %swap3A_73 : vector<1x16xf32> to vector<16xf32>
    %swap3A_75 = vector.shape_cast %scan3A_21#8 : vector<16xf32> to vector<1x16xf32>
    tpu.vector_store %arg9[%swap3A_71, %swap3A_72], %swap3A_75 {strides = array<i32>} : memref<12x16xf32, #tpu.memory_space<vmem>>, vector<1x16xf32>,
    %swap3A_76 = arith.constant 9 : i32
    %swap3A_77 = arith.index_cast %swap3A_76 : i32 to index
    %swap3A_78 = arith.constant 0 : index
    %swap3A_79 = tpu.vector_load %arg9[%swap3A_77, %swap3A_78] {strides = array<i32>} : memref<12x16xf32, #tpu.memory_space<vmem>>, vector<1x16xf32>,
    %swap3A_80 = vector.shape_cast %swap3A_79 : vector<1x16xf32> to vector<16xf32>
    %swap3A_81 = vector.shape_cast %scan3A_21#9 : vector<16xf32> to vector<1x16xf32>
    tpu.vector_store %arg9[%swap3A_77, %swap3A_78], %swap3A_81 {strides = array<i32>} : memref<12x16xf32, #tpu.memory_space<vmem>>, vector<1x16xf32>,
    %swap3A_82 = arith.constant 10 : i32
    %swap3A_83 = arith.index_cast %swap3A_82 : i32 to index
    %swap3A_84 = arith.constant 0 : index
    %swap3A_85 = tpu.vector_load %arg9[%swap3A_83, %swap3A_84] {strides = array<i32>} : memref<12x16xf32, #tpu.memory_space<vmem>>, vector<1x16xf32>,
    %swap3A_86 = vector.shape_cast %swap3A_85 : vector<1x16xf32> to vector<16xf32>
    %swap3A_87 = vector.shape_cast %scan3A_21#10 : vector<16xf32> to vector<1x16xf32>
    tpu.vector_store %arg9[%swap3A_83, %swap3A_84], %swap3A_87 {strides = array<i32>} : memref<12x16xf32, #tpu.memory_space<vmem>>, vector<1x16xf32>,
    %swap3A_88 = arith.constant 11 : i32
    %swap3A_89 = arith.index_cast %swap3A_88 : i32 to index
    %swap3A_90 = arith.constant 0 : index
    %swap3A_91 = tpu.vector_load %arg9[%swap3A_89, %swap3A_90] {strides = array<i32>} : memref<12x16xf32, #tpu.memory_space<vmem>>, vector<1x16xf32>,
    %swap3A_92 = vector.shape_cast %swap3A_91 : vector<1x16xf32> to vector<16xf32>
    %swap3A_93 = vector.shape_cast %scan3A_21#11 : vector<16xf32> to vector<1x16xf32>
    tpu.vector_store %arg9[%swap3A_89, %swap3A_90], %swap3A_93 {strides = array<i32>} : memref<12x16xf32, #tpu.memory_space<vmem>>, vector<1x16xf32>,
    "tpu.region"() ({
      %run_scoped3A = tpu.sem_alloc : memref<!tpu.dma_semaphore, #tpu.memory_space<semaphore_mem>>
      %dma_start3A_94 = arith.constant 0 : i32
      %dma_start3A_95 = arith.constant 0 : i32
      %dma_start3A_96 = tpu.memref_slice %arg5[%add3A, %dma_start3A_94, %dma_start3A_95] : memref<32x12x16xf32, #tpu.memory_space<hbm>> -> memref<1x12x16xf32, #tpu.memory_space<hbm>>
      %dma_start3A_97 = tpu.memref_squeeze %dma_start3A_96 : memref<1x12x16xf32, #tpu.memory_space<hbm>> -> memref<12x16xf32, #tpu.memory_space<hbm>>
      %dma_start3A_98 = arith.constant 0 : i32
      %dma_start3A_99 = arith.constant 0 : i32
      %dma_start3A_100 = tpu.memref_slice %arg5[%add3A, %dma_start3A_98, %dma_start3A_99] : memref<32x12x16xf32, #tpu.memory_space<hbm>> -> memref<1x12x16xf32, #tpu.memory_space<hbm>>
      %dma_start3A_101 = tpu.memref_squeeze %dma_start3A_100 : memref<1x12x16xf32, #tpu.memory_space<hbm>> -> memref<12x16xf32, #tpu.memory_space<hbm>>
      tpu.enqueue_dma source(%arg9 : memref<12x16xf32, #tpu.memory_space<vmem>>) target(%dma_start3A_101 : memref<12x16xf32, #tpu.memory_space<hbm>>) target_semaphore(%run_scoped3A : memref<!tpu.dma_semaphore, #tpu.memory_space<semaphore_mem>>)
      %dma_wait3A_102 = arith.constant 0 : i32
      %dma_wait3A_103 = arith.constant 0 : i32
      %dma_wait3A_104 = tpu.memref_slice %arg5[%add3A, %dma_wait3A_102, %dma_wait3A_103] : memref<32x12x16xf32, #tpu.memory_space<hbm>> -> memref<1x12x16xf32, #tpu.memory_space<hbm>>
      %dma_wait3A_105 = tpu.memref_squeeze %dma_wait3A_104 : memref<1x12x16xf32, #tpu.memory_space<hbm>> -> memref<12x16xf32, #tpu.memory_space<hbm>>
      %dma_wait3A_106 = arith.constant 0 : i32
      %dma_wait3A_107 = arith.constant 0 : i32
      %dma_wait3A_108 = tpu.memref_slice %arg5[%add3A, %dma_wait3A_106, %dma_wait3A_107] : memref<32x12x16xf32, #tpu.memory_space<hbm>> -> memref<1x12x16xf32, #tpu.memory_space<hbm>>
      %dma_wait3A_109 = tpu.memref_squeeze %dma_wait3A_108 : memref<1x12x16xf32, #tpu.memory_space<hbm>> -> memref<12x16xf32, #tpu.memory_space<hbm>>
      tpu.wait_dma2 semaphore(%run_scoped3A : memref<!tpu.dma_semaphore, #tpu.memory_space<semaphore_mem>>) src(%arg9 : memref<12x16xf32, #tpu.memory_space<vmem>>) dst(%dma_wait3A_109 : memref<12x16xf32, #tpu.memory_space<hbm>>)
      tpu.yield
    }) : () -> ()
    return
  }
}

module attributes {stable_mosaic.version = 14 : i64} {
  func.func @_tc_body(%arg0: i32, %arg1: memref<32x128xf32, #tpu.memory_space<vmem>>, %arg2: memref<32x128xi32, #tpu.memory_space<vmem>>, %arg3: memref<4x32x128xf32, #tpu.memory_space<vmem>>, %arg4: memref<12x128xf32, #tpu.memory_space<vmem>>) attributes {dimension_semantics = [#tpu.dimension_semantics<arbitrary>], iteration_bounds = array<i64: 7>, scalar_prefetch = 0 : i64, scratch_operands = 0 : i64, tpu.core_type = #tpu.core_type<tc>, window_params = [{transform_indices = @transform_0, window_bounds = array<i64: 32, 128>}, {transform_indices = @transform_1, window_bounds = array<i64: 32, 128>}, {transform_indices = @transform_2, window_bounds = array<i64: 4, 32, 128>}, {pipeline_mode = #tpu.pipeline_mode<synchronous>, transform_indices = @transform_3, window_bounds = array<i64: 12, 128>}]} {
    %get3A = arith.constant 0 : index
    %get3A_0 = arith.constant 0 : index
    %get3A_1 = vector.load %arg1[%get3A, %get3A_0] : memref<32x128xf32, #tpu.memory_space<vmem>>, vector<32x128xf32>
    %get3A_2 = arith.constant 0 : index
    %get3A_3 = arith.constant 0 : index
    %get3A_4 = vector.load %arg2[%get3A_2, %get3A_3] : memref<32x128xi32, #tpu.memory_space<vmem>>, vector<32x128xi32>
    %neg3A = arith.constant 0.000000e+00 : f32
    %neg3A_5 = vector.broadcast %neg3A : f32 to vector<32x128xf32>
    %neg3A_6 = arith.subf %neg3A_5, %get3A_1 : vector<32x128xf32>
    %exp3A = math.exp %neg3A_6 : vector<32x128xf32>
    %add3A = arith.constant 1.000000e+00 : f32
    %add3A_7 = vector.broadcast %add3A : f32 to vector<32x128xf32>
    %add3A_8 = arith.addf %add3A_7, %exp3A : vector<32x128xf32>
    %div3A = arith.constant 1.000000e+00 : f32
    %div3A_9 = vector.broadcast %div3A : f32 to vector<32x128xf32>
    %div3A_10 = arith.divf %div3A_9, %add3A_8 : vector<32x128xf32>
    %log3A = math.log %add3A_8 : vector<32x128xf32>
    %neg3A_11 = arith.constant 0.000000e+00 : f32
    %neg3A_12 = vector.broadcast %neg3A_11 : f32 to vector<32x128xf32>
    %neg3A_13 = arith.subf %neg3A_12, %log3A : vector<32x128xf32>
    %neg3A_14 = arith.constant 0.000000e+00 : f32
    %neg3A_15 = vector.broadcast %neg3A_14 : f32 to vector<32x128xf32>
    %neg3A_16 = arith.subf %neg3A_15, %get3A_1 : vector<32x128xf32>
    %sub3A = arith.subf %neg3A_16, %log3A : vector<32x128xf32>
    %eq3A = arith.constant 1 : i32
    %eq3A_17 = vector.broadcast %eq3A : i32 to vector<32x128xi32>
    %eq3A_18 = arith.cmpi eq, %get3A_4, %eq3A_17 : vector<32x128xi32>
    %jit3A = arith.constant 1.000000e+00 : f32
    %jit3A_19 = arith.constant 0.000000e+00 : f32
    %broadcast_in_dim3A = vector.broadcast %jit3A : f32 to vector<32x128xf32>
    %broadcast_in_dim3A_20 = vector.broadcast %jit3A_19 : f32 to vector<32x128xf32>
    %select_n3A = arith.select %eq3A_18, %broadcast_in_dim3A, %broadcast_in_dim3A_20 : vector<32x128xi1>, vector<32x128xf32>
    %get3A_21 = arith.constant 0 : index
    %get3A_22 = arith.constant 0 : index
    %get3A_23 = arith.constant 0 : index
    %get3A_24 = vector.load %arg3[%get3A_21, %get3A_22, %get3A_23] : memref<4x32x128xf32, #tpu.memory_space<vmem>>, vector<1x32x128xf32>
    %get3A_25 = vector.shape_cast %get3A_24 : vector<1x32x128xf32> to vector<32x128xf32>
    %lt3A = arith.cmpf olt, %get3A_25, %div3A_10 : vector<32x128xf32>
    %jit3A_26 = arith.constant 1.000000e+00 : f32
    %jit3A_27 = arith.constant 0.000000e+00 : f32
    %broadcast_in_dim3A_28 = vector.broadcast %jit3A_26 : f32 to vector<32x128xf32>
    %broadcast_in_dim3A_29 = vector.broadcast %jit3A_27 : f32 to vector<32x128xf32>
    %select_n3A_30 = arith.select %lt3A, %broadcast_in_dim3A_28, %broadcast_in_dim3A_29 : vector<32x128xi1>, vector<32x128xf32>
    %sub3A_31 = arith.subf %neg3A_13, %sub3A : vector<32x128xf32>
    %mul3A = arith.mulf %select_n3A_30, %sub3A_31 : vector<32x128xf32>
    %add3A_32 = arith.addf %sub3A, %mul3A : vector<32x128xf32>
    %reduce_sum3A = arith.constant dense<0.000000e+00> : vector<128xf32>
    %reduce_sum3A_33 = vector.multi_reduction <add>, %add3A_32, %reduce_sum3A [0] : vector<32x128xf32> to vector<128xf32>
    %broadcast_in_dim3A_34 = vector.shape_cast %reduce_sum3A_33 : vector<128xf32> to vector<1x128xf32>
    %reduce_sum3A_35 = arith.constant dense<0.000000e+00> : vector<128xf32>
    %reduce_sum3A_36 = vector.multi_reduction <add>, %select_n3A_30, %reduce_sum3A_35 [0] : vector<32x128xf32> to vector<128xf32>
    %broadcast_in_dim3A_37 = vector.shape_cast %reduce_sum3A_36 : vector<128xf32> to vector<1x128xf32>
    %sub3A_38 = arith.constant 1.000000e+00 : f32
    %sub3A_39 = vector.broadcast %sub3A_38 : f32 to vector<32x128xf32>
    %sub3A_40 = arith.subf %sub3A_39, %select_n3A_30 : vector<32x128xf32>
    %mul3A_41 = arith.mulf %select_n3A, %sub3A_40 : vector<32x128xf32>
    %reduce_max3A = arith.constant dense<0xFF800000> : vector<128xf32>
    %reduce_max3A_42 = vector.multi_reduction <maximumf>, %mul3A_41, %reduce_max3A [0] : vector<32x128xf32> to vector<128xf32>
    %broadcast_in_dim3A_43 = vector.shape_cast %reduce_max3A_42 : vector<128xf32> to vector<1x128xf32>
    %get3A_44 = arith.constant 1 : index
    %get3A_45 = arith.constant 0 : index
    %get3A_46 = arith.constant 0 : index
    %get3A_47 = vector.load %arg3[%get3A_44, %get3A_45, %get3A_46] : memref<4x32x128xf32, #tpu.memory_space<vmem>>, vector<1x32x128xf32>
    %get3A_48 = vector.shape_cast %get3A_47 : vector<1x32x128xf32> to vector<32x128xf32>
    %lt3A_49 = arith.cmpf olt, %get3A_48, %div3A_10 : vector<32x128xf32>
    %jit3A_50 = arith.constant 1.000000e+00 : f32
    %jit3A_51 = arith.constant 0.000000e+00 : f32
    %broadcast_in_dim3A_52 = vector.broadcast %jit3A_50 : f32 to vector<32x128xf32>
    %broadcast_in_dim3A_53 = vector.broadcast %jit3A_51 : f32 to vector<32x128xf32>
    %select_n3A_54 = arith.select %lt3A_49, %broadcast_in_dim3A_52, %broadcast_in_dim3A_53 : vector<32x128xi1>, vector<32x128xf32>
    %sub3A_55 = arith.subf %neg3A_13, %sub3A : vector<32x128xf32>
    %mul3A_56 = arith.mulf %select_n3A_54, %sub3A_55 : vector<32x128xf32>
    %add3A_57 = arith.addf %sub3A, %mul3A_56 : vector<32x128xf32>
    %reduce_sum3A_58 = arith.constant dense<0.000000e+00> : vector<128xf32>
    %reduce_sum3A_59 = vector.multi_reduction <add>, %add3A_57, %reduce_sum3A_58 [0] : vector<32x128xf32> to vector<128xf32>
    %broadcast_in_dim3A_60 = vector.shape_cast %reduce_sum3A_59 : vector<128xf32> to vector<1x128xf32>
    %reduce_sum3A_61 = arith.constant dense<0.000000e+00> : vector<128xf32>
    %reduce_sum3A_62 = vector.multi_reduction <add>, %select_n3A_54, %reduce_sum3A_61 [0] : vector<32x128xf32> to vector<128xf32>
    %broadcast_in_dim3A_63 = vector.shape_cast %reduce_sum3A_62 : vector<128xf32> to vector<1x128xf32>
    %sub3A_64 = arith.constant 1.000000e+00 : f32
    %sub3A_65 = vector.broadcast %sub3A_64 : f32 to vector<32x128xf32>
    %sub3A_66 = arith.subf %sub3A_65, %select_n3A_54 : vector<32x128xf32>
    %mul3A_67 = arith.mulf %select_n3A, %sub3A_66 : vector<32x128xf32>
    %reduce_max3A_68 = arith.constant dense<0xFF800000> : vector<128xf32>
    %reduce_max3A_69 = vector.multi_reduction <maximumf>, %mul3A_67, %reduce_max3A_68 [0] : vector<32x128xf32> to vector<128xf32>
    %broadcast_in_dim3A_70 = vector.shape_cast %reduce_max3A_69 : vector<128xf32> to vector<1x128xf32>
    %get3A_71 = arith.constant 2 : index
    %get3A_72 = arith.constant 0 : index
    %get3A_73 = arith.constant 0 : index
    %get3A_74 = vector.load %arg3[%get3A_71, %get3A_72, %get3A_73] : memref<4x32x128xf32, #tpu.memory_space<vmem>>, vector<1x32x128xf32>
    %get3A_75 = vector.shape_cast %get3A_74 : vector<1x32x128xf32> to vector<32x128xf32>
    %lt3A_76 = arith.cmpf olt, %get3A_75, %div3A_10 : vector<32x128xf32>
    %jit3A_77 = arith.constant 1.000000e+00 : f32
    %jit3A_78 = arith.constant 0.000000e+00 : f32
    %broadcast_in_dim3A_79 = vector.broadcast %jit3A_77 : f32 to vector<32x128xf32>
    %broadcast_in_dim3A_80 = vector.broadcast %jit3A_78 : f32 to vector<32x128xf32>
    %select_n3A_81 = arith.select %lt3A_76, %broadcast_in_dim3A_79, %broadcast_in_dim3A_80 : vector<32x128xi1>, vector<32x128xf32>
    %sub3A_82 = arith.subf %neg3A_13, %sub3A : vector<32x128xf32>
    %mul3A_83 = arith.mulf %select_n3A_81, %sub3A_82 : vector<32x128xf32>
    %add3A_84 = arith.addf %sub3A, %mul3A_83 : vector<32x128xf32>
    %reduce_sum3A_85 = arith.constant dense<0.000000e+00> : vector<128xf32>
    %reduce_sum3A_86 = vector.multi_reduction <add>, %add3A_84, %reduce_sum3A_85 [0] : vector<32x128xf32> to vector<128xf32>
    %broadcast_in_dim3A_87 = vector.shape_cast %reduce_sum3A_86 : vector<128xf32> to vector<1x128xf32>
    %reduce_sum3A_88 = arith.constant dense<0.000000e+00> : vector<128xf32>
    %reduce_sum3A_89 = vector.multi_reduction <add>, %select_n3A_81, %reduce_sum3A_88 [0] : vector<32x128xf32> to vector<128xf32>
    %broadcast_in_dim3A_90 = vector.shape_cast %reduce_sum3A_89 : vector<128xf32> to vector<1x128xf32>
    %sub3A_91 = arith.constant 1.000000e+00 : f32
    %sub3A_92 = vector.broadcast %sub3A_91 : f32 to vector<32x128xf32>
    %sub3A_93 = arith.subf %sub3A_92, %select_n3A_81 : vector<32x128xf32>
    %mul3A_94 = arith.mulf %select_n3A, %sub3A_93 : vector<32x128xf32>
    %reduce_max3A_95 = arith.constant dense<0xFF800000> : vector<128xf32>
    %reduce_max3A_96 = vector.multi_reduction <maximumf>, %mul3A_94, %reduce_max3A_95 [0] : vector<32x128xf32> to vector<128xf32>
    %broadcast_in_dim3A_97 = vector.shape_cast %reduce_max3A_96 : vector<128xf32> to vector<1x128xf32>
    %get3A_98 = arith.constant 3 : index
    %get3A_99 = arith.constant 0 : index
    %get3A_100 = arith.constant 0 : index
    %get3A_101 = vector.load %arg3[%get3A_98, %get3A_99, %get3A_100] : memref<4x32x128xf32, #tpu.memory_space<vmem>>, vector<1x32x128xf32>
    %get3A_102 = vector.shape_cast %get3A_101 : vector<1x32x128xf32> to vector<32x128xf32>
    %lt3A_103 = arith.cmpf olt, %get3A_102, %div3A_10 : vector<32x128xf32>
    %jit3A_104 = arith.constant 1.000000e+00 : f32
    %jit3A_105 = arith.constant 0.000000e+00 : f32
    %broadcast_in_dim3A_106 = vector.broadcast %jit3A_104 : f32 to vector<32x128xf32>
    %broadcast_in_dim3A_107 = vector.broadcast %jit3A_105 : f32 to vector<32x128xf32>
    %select_n3A_108 = arith.select %lt3A_103, %broadcast_in_dim3A_106, %broadcast_in_dim3A_107 : vector<32x128xi1>, vector<32x128xf32>
    %sub3A_109 = arith.subf %neg3A_13, %sub3A : vector<32x128xf32>
    %mul3A_110 = arith.mulf %select_n3A_108, %sub3A_109 : vector<32x128xf32>
    %add3A_111 = arith.addf %sub3A, %mul3A_110 : vector<32x128xf32>
    %reduce_sum3A_112 = arith.constant dense<0.000000e+00> : vector<128xf32>
    %reduce_sum3A_113 = vector.multi_reduction <add>, %add3A_111, %reduce_sum3A_112 [0] : vector<32x128xf32> to vector<128xf32>
    %broadcast_in_dim3A_114 = vector.shape_cast %reduce_sum3A_113 : vector<128xf32> to vector<1x128xf32>
    %reduce_sum3A_115 = arith.constant dense<0.000000e+00> : vector<128xf32>
    %reduce_sum3A_116 = vector.multi_reduction <add>, %select_n3A_108, %reduce_sum3A_115 [0] : vector<32x128xf32> to vector<128xf32>
    %broadcast_in_dim3A_117 = vector.shape_cast %reduce_sum3A_116 : vector<128xf32> to vector<1x128xf32>
    %sub3A_118 = arith.constant 1.000000e+00 : f32
    %sub3A_119 = vector.broadcast %sub3A_118 : f32 to vector<32x128xf32>
    %sub3A_120 = arith.subf %sub3A_119, %select_n3A_108 : vector<32x128xf32>
    %mul3A_121 = arith.mulf %select_n3A, %sub3A_120 : vector<32x128xf32>
    %reduce_max3A_122 = arith.constant dense<0xFF800000> : vector<128xf32>
    %reduce_max3A_123 = vector.multi_reduction <maximumf>, %mul3A_121, %reduce_max3A_122 [0] : vector<32x128xf32> to vector<128xf32>
    %broadcast_in_dim3A_124 = vector.shape_cast %reduce_max3A_123 : vector<128xf32> to vector<1x128xf32>
    %concatenate3A = tpu.concatenate %broadcast_in_dim3A_34, %broadcast_in_dim3A_60, %broadcast_in_dim3A_87, %broadcast_in_dim3A_114, %broadcast_in_dim3A_37, %broadcast_in_dim3A_63, %broadcast_in_dim3A_90, %broadcast_in_dim3A_117, %broadcast_in_dim3A_43, %broadcast_in_dim3A_70, %broadcast_in_dim3A_97, %broadcast_in_dim3A_124 in 0 : vector<1x128xf32>, vector<1x128xf32>, vector<1x128xf32>, vector<1x128xf32>, vector<1x128xf32>, vector<1x128xf32>, vector<1x128xf32>, vector<1x128xf32>, vector<1x128xf32>, vector<1x128xf32>, vector<1x128xf32>, vector<1x128xf32> -> vector<12x128xf32>
    %eq3A_125 = arith.constant 0 : i32
    %eq3A_126 = arith.cmpi eq, %arg0, %eq3A_125 : i32
    %convert_element_type3A = arith.extui %eq3A_126 : i1 to i32
    %cond3A = arith.constant 0 : i32
    %cond3A_127 = arith.cmpi ne, %convert_element_type3A, %cond3A : i32
    scf.if %cond3A_127 {
      %swap3A = arith.constant 0 : index
      %swap3A_132 = arith.constant 0 : index
      %swap3A_133 = vector.load %arg4[%swap3A, %swap3A_132] : memref<12x128xf32, #tpu.memory_space<vmem>>, vector<12x128xf32>
      tpu.vector_store %arg4[%swap3A, %swap3A_132], %concatenate3A {strides = array<i32>} : memref<12x128xf32, #tpu.memory_space<vmem>>, vector<12x128xf32>,
    } else {
    }
    %gt3A = arith.constant 0 : i32
    %gt3A_128 = arith.cmpi sgt, %arg0, %gt3A : i32
    %convert_element_type3A_129 = arith.extui %gt3A_128 : i1 to i32
    %cond3A_130 = arith.constant 0 : i32
    %cond3A_131 = arith.cmpi ne, %convert_element_type3A_129, %cond3A_130 : i32
    scf.if %cond3A_131 {
      %get3A_132 = arith.constant 0 : index
      %get3A_133 = arith.constant 0 : index
      %get3A_134 = vector.load %arg4[%get3A_132, %get3A_133] : memref<12x128xf32, #tpu.memory_space<vmem>>, vector<12x128xf32>
      %iota3A = tpu.iota {dimensions = array<i32: 0>} : vector<12x128xi32>
      %lt3A_135 = arith.constant 8 : i32
      %lt3A_136 = vector.broadcast %lt3A_135 : i32 to vector<12x128xi32>
      %lt3A_137 = arith.cmpi slt, %iota3A, %lt3A_136 : vector<12x128xi32>
      %add3A_138 = arith.addf %get3A_134, %concatenate3A : vector<12x128xf32>
      %max3A = arith.maximumf %get3A_134, %concatenate3A : vector<12x128xf32>
      %select_n3A_139 = arith.select %lt3A_137, %add3A_138, %max3A : vector<12x128xi1>, vector<12x128xf32>
      %swap3A = arith.constant 0 : index
      %swap3A_140 = arith.constant 0 : index
      %swap3A_141 = vector.load %arg4[%swap3A, %swap3A_140] : memref<12x128xf32, #tpu.memory_space<vmem>>, vector<12x128xf32>
      tpu.vector_store %arg4[%swap3A, %swap3A_140], %select_n3A_139 {strides = array<i32>} : memref<12x128xf32, #tpu.memory_space<vmem>>, vector<12x128xf32>,
    } else {
    }
    return
  }
  func.func @transform_0(%arg0: i32) -> (i32, i32) {
    %add3A = arith.constant 1 : i32
    %add3A_0 = arith.addi %arg0, %add3A : i32
    %c0_i32 = arith.constant 0 : i32
    %c0_i32_1 = arith.constant 0 : i32
    return %add3A_0, %c0_i32 : i32, i32
  }
  func.func @transform_1(%arg0: i32) -> (i32, i32) {
    %add3A = arith.constant 1 : i32
    %add3A_0 = arith.addi %arg0, %add3A : i32
    %c0_i32 = arith.constant 0 : i32
    %c0_i32_1 = arith.constant 0 : i32
    return %add3A_0, %c0_i32 : i32, i32
  }
  func.func @transform_2(%arg0: i32) -> (i32, i32, i32) {
    %add3A = arith.constant 1 : i32
    %add3A_0 = arith.addi %arg0, %add3A : i32
    %c0_i32 = arith.constant 0 : i32
    %c0_i32_1 = arith.constant 0 : i32
    %c0_i32_2 = arith.constant 0 : i32
    return %c0_i32, %add3A_0, %c0_i32_1 : i32, i32, i32
  }
  func.func @transform_3(%arg0: i32) -> (i32, i32) {
    %c0_i32 = arith.constant 0 : i32
    %c0_i32_0 = arith.constant 0 : i32
    %c0_i32_1 = arith.constant 0 : i32
    return %c0_i32, %c0_i32_0 : i32, i32
  }
}

module attributes {stable_mosaic.version = 14 : i64} {
  func.func @_combine_body(%arg0: memref<32x12x16xf32, #tpu.memory_space<vmem>>, %arg1: memref<12x128xf32, #tpu.memory_space<vmem>>, %arg2: memref<1x1xf32, #tpu.memory_space<vmem>>) attributes {dimension_semantics = [], scalar_prefetch = 0 : i64, scratch_operands = 0 : i64, tpu.core_type = #tpu.core_type<tc>} {
    %get3A = arith.constant 0 : index
    %get3A_0 = arith.constant 0 : index
    %get3A_1 = arith.constant 0 : index
    %get3A_2 = vector.load %arg0[%get3A, %get3A_0, %get3A_1] : memref<32x12x16xf32, #tpu.memory_space<vmem>>, vector<32x12x16xf32>
    %get3A_3 = arith.constant 0 : index
    %get3A_4 = arith.constant 0 : index
    %get3A_5 = vector.load %arg1[%get3A_3, %get3A_4] : memref<12x128xf32, #tpu.memory_space<vmem>>, vector<12x128xf32>
    %slice3A = vector.extract_strided_slice %get3A_2 {offsets = [0, 0, 0], sizes = [32, 1, 16], strides = [1, 1, 1]} : vector<32x12x16xf32> to vector<32x1x16xf32>
    %squeeze3A = vector.shape_cast %slice3A : vector<32x1x16xf32> to vector<32x16xf32>
    %reduce_sum3A = vector.shape_cast %squeeze3A : vector<32x16xf32> to vector<1x32x16xf32>
    %reduce_sum3A_6 = arith.constant dense<0.000000e+00> : vector<1xf32>
    %reduce_sum3A_7 = vector.multi_reduction <add>, %reduce_sum3A, %reduce_sum3A_6 [1, 2] : vector<1x32x16xf32> to vector<1xf32>
    %reduce_sum3A_8 = vector.shape_cast %reduce_sum3A_7 : vector<1xf32> to vector<1x1x1xf32>
    %reduce_sum3A_9 = vector.extract %reduce_sum3A_8[0, 0, 0] : f32 from vector<1x1x1xf32>
    %slice3A_10 = vector.extract_strided_slice %get3A_5 {offsets = [0, 0], sizes = [1, 128], strides = [1, 1]} : vector<12x128xf32> to vector<1x128xf32>
    %squeeze3A_11 = vector.shape_cast %slice3A_10 : vector<1x128xf32> to vector<128xf32>
    %reduce_sum3A_12 = vector.shape_cast %squeeze3A_11 : vector<128xf32> to vector<1x128xf32>
    %reduce_sum3A_13 = arith.constant dense<0.000000e+00> : vector<1xf32>
    %reduce_sum3A_14 = vector.multi_reduction <add>, %reduce_sum3A_12, %reduce_sum3A_13 [1] : vector<1x128xf32> to vector<1xf32>
    %reduce_sum3A_15 = vector.shape_cast %reduce_sum3A_14 : vector<1xf32> to vector<1x1xf32>
    %reduce_sum3A_16 = vector.extract %reduce_sum3A_15[0, 0] : f32 from vector<1x1xf32>
    %add3A = arith.addf %reduce_sum3A_9, %reduce_sum3A_16 : f32
    %slice3A_17 = vector.extract_strided_slice %get3A_2 {offsets = [0, 4, 0], sizes = [32, 1, 16], strides = [1, 1, 1]} : vector<32x12x16xf32> to vector<32x1x16xf32>
    %squeeze3A_18 = vector.shape_cast %slice3A_17 : vector<32x1x16xf32> to vector<32x16xf32>
    %reduce_sum3A_19 = vector.shape_cast %squeeze3A_18 : vector<32x16xf32> to vector<1x32x16xf32>
    %reduce_sum3A_20 = arith.constant dense<0.000000e+00> : vector<1xf32>
    %reduce_sum3A_21 = vector.multi_reduction <add>, %reduce_sum3A_19, %reduce_sum3A_20 [1, 2] : vector<1x32x16xf32> to vector<1xf32>
    %reduce_sum3A_22 = vector.shape_cast %reduce_sum3A_21 : vector<1xf32> to vector<1x1x1xf32>
    %reduce_sum3A_23 = vector.extract %reduce_sum3A_22[0, 0, 0] : f32 from vector<1x1x1xf32>
    %slice3A_24 = vector.extract_strided_slice %get3A_5 {offsets = [4, 0], sizes = [1, 128], strides = [1, 1]} : vector<12x128xf32> to vector<1x128xf32>
    %squeeze3A_25 = vector.shape_cast %slice3A_24 : vector<1x128xf32> to vector<128xf32>
    %reduce_sum3A_26 = vector.shape_cast %squeeze3A_25 : vector<128xf32> to vector<1x128xf32>
    %reduce_sum3A_27 = arith.constant dense<0.000000e+00> : vector<1xf32>
    %reduce_sum3A_28 = vector.multi_reduction <add>, %reduce_sum3A_26, %reduce_sum3A_27 [1] : vector<1x128xf32> to vector<1xf32>
    %reduce_sum3A_29 = vector.shape_cast %reduce_sum3A_28 : vector<1xf32> to vector<1x1xf32>
    %reduce_sum3A_30 = vector.extract %reduce_sum3A_29[0, 0] : f32 from vector<1x1xf32>
    %add3A_31 = arith.addf %reduce_sum3A_23, %reduce_sum3A_30 : f32
    %slice3A_32 = vector.extract_strided_slice %get3A_2 {offsets = [0, 8, 0], sizes = [32, 1, 16], strides = [1, 1, 1]} : vector<32x12x16xf32> to vector<32x1x16xf32>
    %squeeze3A_33 = vector.shape_cast %slice3A_32 : vector<32x1x16xf32> to vector<32x16xf32>
    %reduce_max3A = vector.shape_cast %squeeze3A_33 : vector<32x16xf32> to vector<1x32x16xf32>
    %reduce_max3A_34 = arith.constant dense<0xFF800000> : vector<1xf32>
    %reduce_max3A_35 = vector.multi_reduction <maximumf>, %reduce_max3A, %reduce_max3A_34 [1, 2] : vector<1x32x16xf32> to vector<1xf32>
    %reduce_max3A_36 = vector.shape_cast %reduce_max3A_35 : vector<1xf32> to vector<1x1x1xf32>
    %reduce_max3A_37 = vector.extract %reduce_max3A_36[0, 0, 0] : f32 from vector<1x1x1xf32>
    %slice3A_38 = vector.extract_strided_slice %get3A_5 {offsets = [8, 0], sizes = [1, 128], strides = [1, 1]} : vector<12x128xf32> to vector<1x128xf32>
    %squeeze3A_39 = vector.shape_cast %slice3A_38 : vector<1x128xf32> to vector<128xf32>
    %reduce_max3A_40 = vector.shape_cast %squeeze3A_39 : vector<128xf32> to vector<1x128xf32>
    %reduce_max3A_41 = arith.constant dense<0xFF800000> : vector<1xf32>
    %reduce_max3A_42 = vector.multi_reduction <maximumf>, %reduce_max3A_40, %reduce_max3A_41 [1] : vector<1x128xf32> to vector<1xf32>
    %reduce_max3A_43 = vector.shape_cast %reduce_max3A_42 : vector<1xf32> to vector<1x1xf32>
    %reduce_max3A_44 = vector.extract %reduce_max3A_43[0, 0] : f32 from vector<1x1xf32>
    %max3A = arith.maximumf %reduce_max3A_37, %reduce_max3A_44 : f32
    %mul3A = arith.constant 3.05175781E-5 : f32
    %mul3A_45 = arith.mulf %add3A_31, %mul3A : f32
    %gt3A = arith.constant 0.000000e+00 : f32
    %gt3A_46 = arith.cmpf ogt, %max3A, %gt3A : f32
    %mul3A_47 = arith.mulf %mul3A_45, %mul3A_45 : f32
    %jit3A = arith.constant 1.000000e+00 : f32
    %select_n3A = arith.select %gt3A_46, %jit3A, %mul3A_47 : f32
    %mul3A_48 = arith.mulf %select_n3A, %add3A : f32
    %add3A_49 = arith.constant 0.000000e+00 : f32
    %add3A_50 = arith.addf %add3A_49, %mul3A_48 : f32
    %slice3A_51 = vector.extract_strided_slice %get3A_2 {offsets = [0, 1, 0], sizes = [32, 1, 16], strides = [1, 1, 1]} : vector<32x12x16xf32> to vector<32x1x16xf32>
    %squeeze3A_52 = vector.shape_cast %slice3A_51 : vector<32x1x16xf32> to vector<32x16xf32>
    %reduce_sum3A_53 = vector.shape_cast %squeeze3A_52 : vector<32x16xf32> to vector<1x32x16xf32>
    %reduce_sum3A_54 = arith.constant dense<0.000000e+00> : vector<1xf32>
    %reduce_sum3A_55 = vector.multi_reduction <add>, %reduce_sum3A_53, %reduce_sum3A_54 [1, 2] : vector<1x32x16xf32> to vector<1xf32>
    %reduce_sum3A_56 = vector.shape_cast %reduce_sum3A_55 : vector<1xf32> to vector<1x1x1xf32>
    %reduce_sum3A_57 = vector.extract %reduce_sum3A_56[0, 0, 0] : f32 from vector<1x1x1xf32>
    %slice3A_58 = vector.extract_strided_slice %get3A_5 {offsets = [1, 0], sizes = [1, 128], strides = [1, 1]} : vector<12x128xf32> to vector<1x128xf32>
    %squeeze3A_59 = vector.shape_cast %slice3A_58 : vector<1x128xf32> to vector<128xf32>
    %reduce_sum3A_60 = vector.shape_cast %squeeze3A_59 : vector<128xf32> to vector<1x128xf32>
    %reduce_sum3A_61 = arith.constant dense<0.000000e+00> : vector<1xf32>
    %reduce_sum3A_62 = vector.multi_reduction <add>, %reduce_sum3A_60, %reduce_sum3A_61 [1] : vector<1x128xf32> to vector<1xf32>
    %reduce_sum3A_63 = vector.shape_cast %reduce_sum3A_62 : vector<1xf32> to vector<1x1xf32>
    %reduce_sum3A_64 = vector.extract %reduce_sum3A_63[0, 0] : f32 from vector<1x1xf32>
    %add3A_65 = arith.addf %reduce_sum3A_57, %reduce_sum3A_64 : f32
    %slice3A_66 = vector.extract_strided_slice %get3A_2 {offsets = [0, 5, 0], sizes = [32, 1, 16], strides = [1, 1, 1]} : vector<32x12x16xf32> to vector<32x1x16xf32>
    %squeeze3A_67 = vector.shape_cast %slice3A_66 : vector<32x1x16xf32> to vector<32x16xf32>
    %reduce_sum3A_68 = vector.shape_cast %squeeze3A_67 : vector<32x16xf32> to vector<1x32x16xf32>
    %reduce_sum3A_69 = arith.constant dense<0.000000e+00> : vector<1xf32>
    %reduce_sum3A_70 = vector.multi_reduction <add>, %reduce_sum3A_68, %reduce_sum3A_69 [1, 2] : vector<1x32x16xf32> to vector<1xf32>
    %reduce_sum3A_71 = vector.shape_cast %reduce_sum3A_70 : vector<1xf32> to vector<1x1x1xf32>
    %reduce_sum3A_72 = vector.extract %reduce_sum3A_71[0, 0, 0] : f32 from vector<1x1x1xf32>
    %slice3A_73 = vector.extract_strided_slice %get3A_5 {offsets = [5, 0], sizes = [1, 128], strides = [1, 1]} : vector<12x128xf32> to vector<1x128xf32>
    %squeeze3A_74 = vector.shape_cast %slice3A_73 : vector<1x128xf32> to vector<128xf32>
    %reduce_sum3A_75 = vector.shape_cast %squeeze3A_74 : vector<128xf32> to vector<1x128xf32>
    %reduce_sum3A_76 = arith.constant dense<0.000000e+00> : vector<1xf32>
    %reduce_sum3A_77 = vector.multi_reduction <add>, %reduce_sum3A_75, %reduce_sum3A_76 [1] : vector<1x128xf32> to vector<1xf32>
    %reduce_sum3A_78 = vector.shape_cast %reduce_sum3A_77 : vector<1xf32> to vector<1x1xf32>
    %reduce_sum3A_79 = vector.extract %reduce_sum3A_78[0, 0] : f32 from vector<1x1xf32>
    %add3A_80 = arith.addf %reduce_sum3A_72, %reduce_sum3A_79 : f32
    %slice3A_81 = vector.extract_strided_slice %get3A_2 {offsets = [0, 9, 0], sizes = [32, 1, 16], strides = [1, 1, 1]} : vector<32x12x16xf32> to vector<32x1x16xf32>
    %squeeze3A_82 = vector.shape_cast %slice3A_81 : vector<32x1x16xf32> to vector<32x16xf32>
    %reduce_max3A_83 = vector.shape_cast %squeeze3A_82 : vector<32x16xf32> to vector<1x32x16xf32>
    %reduce_max3A_84 = arith.constant dense<0xFF800000> : vector<1xf32>
    %reduce_max3A_85 = vector.multi_reduction <maximumf>, %reduce_max3A_83, %reduce_max3A_84 [1, 2] : vector<1x32x16xf32> to vector<1xf32>
    %reduce_max3A_86 = vector.shape_cast %reduce_max3A_85 : vector<1xf32> to vector<1x1x1xf32>
    %reduce_max3A_87 = vector.extract %reduce_max3A_86[0, 0, 0] : f32 from vector<1x1x1xf32>
    %slice3A_88 = vector.extract_strided_slice %get3A_5 {offsets = [9, 0], sizes = [1, 128], strides = [1, 1]} : vector<12x128xf32> to vector<1x128xf32>
    %squeeze3A_89 = vector.shape_cast %slice3A_88 : vector<1x128xf32> to vector<128xf32>
    %reduce_max3A_90 = vector.shape_cast %squeeze3A_89 : vector<128xf32> to vector<1x128xf32>
    %reduce_max3A_91 = arith.constant dense<0xFF800000> : vector<1xf32>
    %reduce_max3A_92 = vector.multi_reduction <maximumf>, %reduce_max3A_90, %reduce_max3A_91 [1] : vector<1x128xf32> to vector<1xf32>
    %reduce_max3A_93 = vector.shape_cast %reduce_max3A_92 : vector<1xf32> to vector<1x1xf32>
    %reduce_max3A_94 = vector.extract %reduce_max3A_93[0, 0] : f32 from vector<1x1xf32>
    %max3A_95 = arith.maximumf %reduce_max3A_87, %reduce_max3A_94 : f32
    %mul3A_96 = arith.constant 3.05175781E-5 : f32
    %mul3A_97 = arith.mulf %add3A_80, %mul3A_96 : f32
    %gt3A_98 = arith.constant 0.000000e+00 : f32
    %gt3A_99 = arith.cmpf ogt, %max3A_95, %gt3A_98 : f32
    %mul3A_100 = arith.mulf %mul3A_97, %mul3A_97 : f32
    %jit3A_101 = arith.constant 1.000000e+00 : f32
    %select_n3A_102 = arith.select %gt3A_99, %jit3A_101, %mul3A_100 : f32
    %mul3A_103 = arith.mulf %select_n3A_102, %add3A_65 : f32
    %add3A_104 = arith.addf %add3A_50, %mul3A_103 : f32
    %slice3A_105 = vector.extract_strided_slice %get3A_2 {offsets = [0, 2, 0], sizes = [32, 1, 16], strides = [1, 1, 1]} : vector<32x12x16xf32> to vector<32x1x16xf32>
    %squeeze3A_106 = vector.shape_cast %slice3A_105 : vector<32x1x16xf32> to vector<32x16xf32>
    %reduce_sum3A_107 = vector.shape_cast %squeeze3A_106 : vector<32x16xf32> to vector<1x32x16xf32>
    %reduce_sum3A_108 = arith.constant dense<0.000000e+00> : vector<1xf32>
    %reduce_sum3A_109 = vector.multi_reduction <add>, %reduce_sum3A_107, %reduce_sum3A_108 [1, 2] : vector<1x32x16xf32> to vector<1xf32>
    %reduce_sum3A_110 = vector.shape_cast %reduce_sum3A_109 : vector<1xf32> to vector<1x1x1xf32>
    %reduce_sum3A_111 = vector.extract %reduce_sum3A_110[0, 0, 0] : f32 from vector<1x1x1xf32>
    %slice3A_112 = vector.extract_strided_slice %get3A_5 {offsets = [2, 0], sizes = [1, 128], strides = [1, 1]} : vector<12x128xf32> to vector<1x128xf32>
    %squeeze3A_113 = vector.shape_cast %slice3A_112 : vector<1x128xf32> to vector<128xf32>
    %reduce_sum3A_114 = vector.shape_cast %squeeze3A_113 : vector<128xf32> to vector<1x128xf32>
    %reduce_sum3A_115 = arith.constant dense<0.000000e+00> : vector<1xf32>
    %reduce_sum3A_116 = vector.multi_reduction <add>, %reduce_sum3A_114, %reduce_sum3A_115 [1] : vector<1x128xf32> to vector<1xf32>
    %reduce_sum3A_117 = vector.shape_cast %reduce_sum3A_116 : vector<1xf32> to vector<1x1xf32>
    %reduce_sum3A_118 = vector.extract %reduce_sum3A_117[0, 0] : f32 from vector<1x1xf32>
    %add3A_119 = arith.addf %reduce_sum3A_111, %reduce_sum3A_118 : f32
    %slice3A_120 = vector.extract_strided_slice %get3A_2 {offsets = [0, 6, 0], sizes = [32, 1, 16], strides = [1, 1, 1]} : vector<32x12x16xf32> to vector<32x1x16xf32>
    %squeeze3A_121 = vector.shape_cast %slice3A_120 : vector<32x1x16xf32> to vector<32x16xf32>
    %reduce_sum3A_122 = vector.shape_cast %squeeze3A_121 : vector<32x16xf32> to vector<1x32x16xf32>
    %reduce_sum3A_123 = arith.constant dense<0.000000e+00> : vector<1xf32>
    %reduce_sum3A_124 = vector.multi_reduction <add>, %reduce_sum3A_122, %reduce_sum3A_123 [1, 2] : vector<1x32x16xf32> to vector<1xf32>
    %reduce_sum3A_125 = vector.shape_cast %reduce_sum3A_124 : vector<1xf32> to vector<1x1x1xf32>
    %reduce_sum3A_126 = vector.extract %reduce_sum3A_125[0, 0, 0] : f32 from vector<1x1x1xf32>
    %slice3A_127 = vector.extract_strided_slice %get3A_5 {offsets = [6, 0], sizes = [1, 128], strides = [1, 1]} : vector<12x128xf32> to vector<1x128xf32>
    %squeeze3A_128 = vector.shape_cast %slice3A_127 : vector<1x128xf32> to vector<128xf32>
    %reduce_sum3A_129 = vector.shape_cast %squeeze3A_128 : vector<128xf32> to vector<1x128xf32>
    %reduce_sum3A_130 = arith.constant dense<0.000000e+00> : vector<1xf32>
    %reduce_sum3A_131 = vector.multi_reduction <add>, %reduce_sum3A_129, %reduce_sum3A_130 [1] : vector<1x128xf32> to vector<1xf32>
    %reduce_sum3A_132 = vector.shape_cast %reduce_sum3A_131 : vector<1xf32> to vector<1x1xf32>
    %reduce_sum3A_133 = vector.extract %reduce_sum3A_132[0, 0] : f32 from vector<1x1xf32>
    %add3A_134 = arith.addf %reduce_sum3A_126, %reduce_sum3A_133 : f32
    %slice3A_135 = vector.extract_strided_slice %get3A_2 {offsets = [0, 10, 0], sizes = [32, 1, 16], strides = [1, 1, 1]} : vector<32x12x16xf32> to vector<32x1x16xf32>
    %squeeze3A_136 = vector.shape_cast %slice3A_135 : vector<32x1x16xf32> to vector<32x16xf32>
    %reduce_max3A_137 = vector.shape_cast %squeeze3A_136 : vector<32x16xf32> to vector<1x32x16xf32>
    %reduce_max3A_138 = arith.constant dense<0xFF800000> : vector<1xf32>
    %reduce_max3A_139 = vector.multi_reduction <maximumf>, %reduce_max3A_137, %reduce_max3A_138 [1, 2] : vector<1x32x16xf32> to vector<1xf32>
    %reduce_max3A_140 = vector.shape_cast %reduce_max3A_139 : vector<1xf32> to vector<1x1x1xf32>
    %reduce_max3A_141 = vector.extract %reduce_max3A_140[0, 0, 0] : f32 from vector<1x1x1xf32>
    %slice3A_142 = vector.extract_strided_slice %get3A_5 {offsets = [10, 0], sizes = [1, 128], strides = [1, 1]} : vector<12x128xf32> to vector<1x128xf32>
    %squeeze3A_143 = vector.shape_cast %slice3A_142 : vector<1x128xf32> to vector<128xf32>
    %reduce_max3A_144 = vector.shape_cast %squeeze3A_143 : vector<128xf32> to vector<1x128xf32>
    %reduce_max3A_145 = arith.constant dense<0xFF800000> : vector<1xf32>
    %reduce_max3A_146 = vector.multi_reduction <maximumf>, %reduce_max3A_144, %reduce_max3A_145 [1] : vector<1x128xf32> to vector<1xf32>
    %reduce_max3A_147 = vector.shape_cast %reduce_max3A_146 : vector<1xf32> to vector<1x1xf32>
    %reduce_max3A_148 = vector.extract %reduce_max3A_147[0, 0] : f32 from vector<1x1xf32>
    %max3A_149 = arith.maximumf %reduce_max3A_141, %reduce_max3A_148 : f32
    %mul3A_150 = arith.constant 3.05175781E-5 : f32
    %mul3A_151 = arith.mulf %add3A_134, %mul3A_150 : f32
    %gt3A_152 = arith.constant 0.000000e+00 : f32
    %gt3A_153 = arith.cmpf ogt, %max3A_149, %gt3A_152 : f32
    %mul3A_154 = arith.mulf %mul3A_151, %mul3A_151 : f32
    %jit3A_155 = arith.constant 1.000000e+00 : f32
    %select_n3A_156 = arith.select %gt3A_153, %jit3A_155, %mul3A_154 : f32
    %mul3A_157 = arith.mulf %select_n3A_156, %add3A_119 : f32
    %add3A_158 = arith.addf %add3A_104, %mul3A_157 : f32
    %slice3A_159 = vector.extract_strided_slice %get3A_2 {offsets = [0, 3, 0], sizes = [32, 1, 16], strides = [1, 1, 1]} : vector<32x12x16xf32> to vector<32x1x16xf32>
    %squeeze3A_160 = vector.shape_cast %slice3A_159 : vector<32x1x16xf32> to vector<32x16xf32>
    %reduce_sum3A_161 = vector.shape_cast %squeeze3A_160 : vector<32x16xf32> to vector<1x32x16xf32>
    %reduce_sum3A_162 = arith.constant dense<0.000000e+00> : vector<1xf32>
    %reduce_sum3A_163 = vector.multi_reduction <add>, %reduce_sum3A_161, %reduce_sum3A_162 [1, 2] : vector<1x32x16xf32> to vector<1xf32>
    %reduce_sum3A_164 = vector.shape_cast %reduce_sum3A_163 : vector<1xf32> to vector<1x1x1xf32>
    %reduce_sum3A_165 = vector.extract %reduce_sum3A_164[0, 0, 0] : f32 from vector<1x1x1xf32>
    %slice3A_166 = vector.extract_strided_slice %get3A_5 {offsets = [3, 0], sizes = [1, 128], strides = [1, 1]} : vector<12x128xf32> to vector<1x128xf32>
    %squeeze3A_167 = vector.shape_cast %slice3A_166 : vector<1x128xf32> to vector<128xf32>
    %reduce_sum3A_168 = vector.shape_cast %squeeze3A_167 : vector<128xf32> to vector<1x128xf32>
    %reduce_sum3A_169 = arith.constant dense<0.000000e+00> : vector<1xf32>
    %reduce_sum3A_170 = vector.multi_reduction <add>, %reduce_sum3A_168, %reduce_sum3A_169 [1] : vector<1x128xf32> to vector<1xf32>
    %reduce_sum3A_171 = vector.shape_cast %reduce_sum3A_170 : vector<1xf32> to vector<1x1xf32>
    %reduce_sum3A_172 = vector.extract %reduce_sum3A_171[0, 0] : f32 from vector<1x1xf32>
    %add3A_173 = arith.addf %reduce_sum3A_165, %reduce_sum3A_172 : f32
    %slice3A_174 = vector.extract_strided_slice %get3A_2 {offsets = [0, 7, 0], sizes = [32, 1, 16], strides = [1, 1, 1]} : vector<32x12x16xf32> to vector<32x1x16xf32>
    %squeeze3A_175 = vector.shape_cast %slice3A_174 : vector<32x1x16xf32> to vector<32x16xf32>
    %reduce_sum3A_176 = vector.shape_cast %squeeze3A_175 : vector<32x16xf32> to vector<1x32x16xf32>
    %reduce_sum3A_177 = arith.constant dense<0.000000e+00> : vector<1xf32>
    %reduce_sum3A_178 = vector.multi_reduction <add>, %reduce_sum3A_176, %reduce_sum3A_177 [1, 2] : vector<1x32x16xf32> to vector<1xf32>
    %reduce_sum3A_179 = vector.shape_cast %reduce_sum3A_178 : vector<1xf32> to vector<1x1x1xf32>
    %reduce_sum3A_180 = vector.extract %reduce_sum3A_179[0, 0, 0] : f32 from vector<1x1x1xf32>
    %slice3A_181 = vector.extract_strided_slice %get3A_5 {offsets = [7, 0], sizes = [1, 128], strides = [1, 1]} : vector<12x128xf32> to vector<1x128xf32>
    %squeeze3A_182 = vector.shape_cast %slice3A_181 : vector<1x128xf32> to vector<128xf32>
    %reduce_sum3A_183 = vector.shape_cast %squeeze3A_182 : vector<128xf32> to vector<1x128xf32>
    %reduce_sum3A_184 = arith.constant dense<0.000000e+00> : vector<1xf32>
    %reduce_sum3A_185 = vector.multi_reduction <add>, %reduce_sum3A_183, %reduce_sum3A_184 [1] : vector<1x128xf32> to vector<1xf32>
    %reduce_sum3A_186 = vector.shape_cast %reduce_sum3A_185 : vector<1xf32> to vector<1x1xf32>
    %reduce_sum3A_187 = vector.extract %reduce_sum3A_186[0, 0] : f32 from vector<1x1xf32>
    %add3A_188 = arith.addf %reduce_sum3A_180, %reduce_sum3A_187 : f32
    %slice3A_189 = vector.extract_strided_slice %get3A_2 {offsets = [0, 11, 0], sizes = [32, 1, 16], strides = [1, 1, 1]} : vector<32x12x16xf32> to vector<32x1x16xf32>
    %squeeze3A_190 = vector.shape_cast %slice3A_189 : vector<32x1x16xf32> to vector<32x16xf32>
    %reduce_max3A_191 = vector.shape_cast %squeeze3A_190 : vector<32x16xf32> to vector<1x32x16xf32>
    %reduce_max3A_192 = arith.constant dense<0xFF800000> : vector<1xf32>
    %reduce_max3A_193 = vector.multi_reduction <maximumf>, %reduce_max3A_191, %reduce_max3A_192 [1, 2] : vector<1x32x16xf32> to vector<1xf32>
    %reduce_max3A_194 = vector.shape_cast %reduce_max3A_193 : vector<1xf32> to vector<1x1x1xf32>
    %reduce_max3A_195 = vector.extract %reduce_max3A_194[0, 0, 0] : f32 from vector<1x1x1xf32>
    %slice3A_196 = vector.extract_strided_slice %get3A_5 {offsets = [11, 0], sizes = [1, 128], strides = [1, 1]} : vector<12x128xf32> to vector<1x128xf32>
    %squeeze3A_197 = vector.shape_cast %slice3A_196 : vector<1x128xf32> to vector<128xf32>
    %reduce_max3A_198 = vector.shape_cast %squeeze3A_197 : vector<128xf32> to vector<1x128xf32>
    %reduce_max3A_199 = arith.constant dense<0xFF800000> : vector<1xf32>
    %reduce_max3A_200 = vector.multi_reduction <maximumf>, %reduce_max3A_198, %reduce_max3A_199 [1] : vector<1x128xf32> to vector<1xf32>
    %reduce_max3A_201 = vector.shape_cast %reduce_max3A_200 : vector<1xf32> to vector<1x1xf32>
    %reduce_max3A_202 = vector.extract %reduce_max3A_201[0, 0] : f32 from vector<1x1xf32>
    %max3A_203 = arith.maximumf %reduce_max3A_195, %reduce_max3A_202 : f32
    %mul3A_204 = arith.constant 3.05175781E-5 : f32
    %mul3A_205 = arith.mulf %add3A_188, %mul3A_204 : f32
    %gt3A_206 = arith.constant 0.000000e+00 : f32
    %gt3A_207 = arith.cmpf ogt, %max3A_203, %gt3A_206 : f32
    %mul3A_208 = arith.mulf %mul3A_205, %mul3A_205 : f32
    %jit3A_209 = arith.constant 1.000000e+00 : f32
    %select_n3A_210 = arith.select %gt3A_207, %jit3A_209, %mul3A_208 : f32
    %mul3A_211 = arith.mulf %select_n3A_210, %add3A_173 : f32
    %add3A_212 = arith.addf %add3A_158, %mul3A_211 : f32
    %mul3A_213 = arith.constant 2.500000e-01 : f32
    %mul3A_214 = arith.mulf %add3A_212, %mul3A_213 : f32
    %broadcast_in_dim3A = vector.broadcast %mul3A_214 : f32 to vector<1x1xf32>
    %swap3A = arith.constant 0 : index
    %swap3A_215 = arith.constant 0 : index
    %swap3A_216 = vector.load %arg2[%swap3A, %swap3A_215] : memref<1x1xf32, #tpu.memory_space<vmem>>, vector<1x1xf32>
    tpu.vector_store %arg2[%swap3A, %swap3A_215], %broadcast_in_dim3A {strides = array<i32>} : memref<1x1xf32, #tpu.memory_space<vmem>>, vector<1x1xf32>,
    return
  }
}

</mosaic_0001>

<sc_bundles>
// kernel: kernel.5.cloned.1.call-start
scs
__scs_entry_jumppad:
0x0: {  	(pc) =	sbr.rel $0x88, $3  }
0x1: {  	(tag) =	ssettag $0x0;
	lr =	simm.s32 $0x1  }
0x2: {  	[smem:$0x3F9F] =	sst lr;
	_ =	strace $0xD0000000  }
0x3: {  	_ = 	snop  }
0x4: {  	_ = 	snop  }
0x5: {  	_ = 	snop  }
0x6: {  	_ = 	snop  }
0x7: {  	_ = 	snop  }
__scs_overlays_trampoline_lowered:
0x8: {  	[smem:$0x3FAE] =	sst s0  }
0x9: {  	[smem:$0x3FAF] =	sst s1  }
0xa: {  	[smem:$0x3FB0] =	sst s2  }
0xb: {  	[smem:$0x3FB1] =	sst s3  }
0xc: {  	[smem:$0x3FB2] =	sst s4  }
0xd: {  	[smem:$0x3FB3] =	sst s5  }
0xe: {  	[smem:$0x3FB4] =	sst s6  }
0xf: {  	[smem:$0x3FB5] =	sst s7  }
0x10: {  	[smem:$0x3FB6] =	sst s8  }
0x11: {  	[smem:$0x3FB7] =	sst s9;
	s0 =	simm.s32 @!p0 $0x0  }
0x12: {  	s1 =	sld [smem:$0x3F9D];
	s0 =	simm.s32 @p0 $0x1  }
0x13: {  	[smem:$0x3FB8] =	sst s0;
	s0 =	simm.s32 @!p1 $0x0  }
0x14: {  	s2 =	sld [smem:$0x3F9C];
	s0 =	simm.s32 @p1 $0x1  }
0x15: {  	[smem:$0x3FB9] =	sst s0;
	s0 =	simm.s32 @!p2 $0x0  }
0x16: {  	s3 =	sld [smem:$0x3FDB];
	s0 =	simm.s32 @p2 $0x1  }
0x17: {  	s4 =	simm.s32 $0x1BF5;
	[smem:$0x3FBB] =	sst s0  }
0x18: {  	s0 =	sld [smem:$0x3F9E];
	_ =	swait.ge [sflag:s4], $0x0  }
0x19: {  	s7 =	sld [smem:$0x3F9F]  }
0x1a: {  	s8 =	sadd.s32 $0xFFFFE003, lr  }
0x1b: {  	s9 =	sadd.s32 $0xFFFFFEF7, lr;
	s5 =	simm.s32 $0xFFFFFFFF;
	p2 =	slt.u32 s8, $0xFFFFF086  }
0x1c: {  	p1 =	slt.u32 s9, $0xF7A;
	s5 =	simm.s32 @!p2 $0x0  }
0x1d: {  	s5 =	simm.s32 @p1 $0x1;
	p0 =	seq.s32 s7, s2  }
0x1e: {  	s7 =	smul.u32 @!p0 $0xF7A, s2;
	p2 =	seq.s32 @!p0 s5, $0x0  }
0x1f: {  	s9 =	smul.u32 $0xF7A, s1;
	s8 =	simm.s32 @!p0 $0x1BF5;
	p2 =	por !p2, p0  }
0x20: {  	[sflag:s8] =	ssyncset.s32 @!p0 $0xFFFFF086;
	s6 =	sadd.s32 @!p0 s3, s7;
	s7 =	simm.s32 @!p0 $0x108  }
0x21: {  	s3 =	sadd.s32 s3, s9;
	s6 =	sadd.s32 @!p0 $0x88, s6;
	s7 =	simm.s32 @p2 $0x1082  }
0x22: {  	[simem:s7], [sflag:s8] =	dma.local @!p0 [hbm:s6], $0xF7A  }
0x23: {  	s9 =	sor.u32 $0xD0000000, s2;
	s6 =	simm.s32 $0x108;
	_ =	swait.ge @!p0 [sflag:s8], $0x0  }
0x24: {  	s3 =	sadd.s32 $0x88, s3;
	s6 =	simm.s32 @!p1 $0x1082;
	[sflag:s4] =	ssyncset.s32 $0xFFFFF086  }
0x25: {  	[simem:s6], [sflag:s4] =	dma.local [hbm:s3], $0xF7A  }
0x26: {  	[smem:$0x3F9F] =	sst s1;
	(tag) =	ssettag s2;
	_ =	strace s9  }
0x27: {  	s1 =	sld [smem:$0x3FAF]  }
0x28: {  	s2 =	sld [smem:$0x3FB0]  }
0x29: {  	s4 =	sld [smem:$0x3FB2]  }
0x2a: {  	p0 =	seq.s32 s5, $0x0;
	s5 =	sld [smem:$0x3FB3]  }
0x2b: {  	s6 =	sld [smem:$0x3FB4]  }
0x2c: {  	s7 =	sld [smem:$0x3FB5]  }
0x2d: {  	s3 =	simm.s32 $0x108;
	s8 =	sld [smem:$0x3FB6]  }
0x2e: {  	s3 =	simm.s32 @!p0 $0x1082;
	s9 =	sld [smem:$0x3FB7]  }
0x2f: {  	lr =	sadd.s32 s0, s3;
	s0 =	sld [smem:$0x3FAE]  }
0x30: {  	s3 =	sld [smem:$0x3FB1]  }
0x31: {  	[smem:$0x3FBA] =	sst s10  }
0x32: {  	s10 =	sld [smem:$0x3FB8];
	_ =	sdelay $0x3  }
0x33: {  	p0 =	seq.s32 s10, $0x1;
	s10 =	sld [smem:$0x3FBA];
	_ =	sdelay $0x3  }
0x34: {  	[smem:$0x3FBA] =	sst s10  }
0x35: {  	s10 =	sld [smem:$0x3FB9];
	_ =	sdelay $0x3  }
0x36: {  	p1 =	seq.s32 s10, $0x1;
	s10 =	sld [smem:$0x3FBA];
	_ =	sdelay $0x3  }
0x37: {  	[smem:$0x3FBA] =	sst s10  }
0x38: {  	s10 =	sld [smem:$0x3FBB]  }
0x39: {  	_ = 	snop;
	(pc) =	sbr.ind lr, $3  }
0x3a: {  	_ = 	snop  }
0x3b: {  	_ = 	snop  }
0x3c: {  	p2 =	seq.s32 s10, $0x1;
	s10 =	sld [smem:$0x3FBA]  }
0x3d: {  	_ =	shalt  }
0x3e: {  	_ =	shalt  }
0x3f: {  	_ =	shalt  }
0x40: {  	_ =	shalt  }
0x41: {  	_ =	shalt  }
0x42: {  	_ =	shalt  }
0x43: {  	_ =	shalt  }
0x44: {  	_ =	shalt  }
0x45: {  	_ =	shalt  }
0x46: {  	_ =	shalt  }
0x47: {  	_ =	shalt  }
0x48: {  	_ =	shalt  }
0x49: {  	_ =	shalt  }
0x4a: {  	_ =	shalt  }
0x4b: {  	_ =	shalt  }
0x4c: {  	_ =	shalt  }
0x4d: {  	_ =	shalt  }
0x4e: {  	_ =	shalt  }
0x4f: {  	_ =	shalt  }
0x50: {  	_ =	shalt  }
0x51: {  	_ =	shalt  }
0x52: {  	_ =	shalt  }
0x53: {  	_ =	shalt  }
0x54: {  	_ =	shalt  }
0x55: {  	_ =	shalt  }
0x56: {  	_ =	shalt  }
0x57: {  	_ =	shalt  }
0x58: {  	_ =	shalt  }
0x59: {  	_ =	shalt  }
0x5a: {  	_ =	shalt  }
0x5b: {  	_ =	shalt  }
0x5c: {  	_ =	shalt  }
0x5d: {  	_ =	shalt  }
0x5e: {  	_ =	shalt  }
0x5f: {  	_ =	shalt  }
0x60: {  	_ =	shalt  }
0x61: {  	_ =	shalt  }
0x62: {  	_ =	shalt  }
0x63: {  	_ =	shalt  }
0x64: {  	_ =	shalt  }
0x65: {  	_ =	shalt  }
0x66: {  	_ =	shalt  }
0x67: {  	_ =	shalt  }
0x68: {  	_ =	shalt  }
0x69: {  	_ =	shalt  }
0x6a: {  	_ =	shalt  }
0x6b: {  	_ =	shalt  }
0x6c: {  	_ =	shalt  }
0x6d: {  	_ =	shalt  }
0x6e: {  	_ =	shalt  }
0x6f: {  	_ =	shalt  }
0x70: {  	_ =	shalt  }
0x71: {  	_ =	shalt  }
0x72: {  	_ =	shalt  }
0x73: {  	_ =	shalt  }
0x74: {  	_ =	shalt  }
0x75: {  	_ =	shalt  }
0x76: {  	_ =	shalt  }
0x77: {  	_ =	shalt  }
0x78: {  	_ =	shalt  }
0x79: {  	_ =	shalt  }
0x7a: {  	_ =	shalt  }
0x7b: {  	_ =	shalt  }
0x7c: {  	_ =	shalt  }
0x7d: {  	_ =	shalt  }
0x7e: {  	_ =	shalt  }
0x7f: {  	_ =	shalt  }
0x80: {  	_ =	shalt  }
0x81: {  	_ =	shalt  }
0x82: {  	_ =	shalt  }
0x83: {  	_ =	shalt  }
0x84: {  	_ =	shalt  }
0x85: {  	_ =	shalt  }
0x86: {  	_ =	shalt  }
0x87: {  	_ =	shalt  }
.Lfunc_end0:
.L_simem_size_0:
called_computation_lowered:
.L_overlay_start_0:
0x88: {  	s2 =	sld [smem:$0x3FD9]  }
0x89: {  	s3 =	sld [smem:$0x3FFE];
	_ =	sdelay $0x1  }
0x8a: {  	s1 =	srdreg.scid  }
0x8b: {  	s0 =	sand.u32 $0x1, s1  }
0x8c: {  	s17 =	sshll.u32 s0, $0xA;
	s2 =	sadd.s32 s3, s2  }
0x8d: {  	s2 =	sadd.s32 s2, s17  }
0x8e: {  	[smem:$0x3FC6] =	sst s2  }
0x8f: {  	_ = 	snop  }
0x90: {  	s2 =	sld [smem:$0x3FC9]  }
0x91: {  	s18 =	sld [smem:$0x3FC8];
	(tm) =	ssettm $0x1  }
0x92: {  	s4 =	sld [smem:$0x3FFB];
	_ =	sdelay $0x3  }
0x93: {  	_ =	strace s4  }
0x94: {  	s4 =	sld [smem:$0x3FFC];
	_ =	sdelay $0x3  }
0x95: {  	_ =	strace s4  }
0x96: {  	s4 =	sld [smem:$0x3FFD];
	_ =	sdelay $0x3  }
0x97: {  	_ =	strace s4  }
0x98: {  	_ =	strace $0x8FFFFFFF  }
0x99: {  	s19 =	sld [smem:$0x3FDB];
	_ =	sdelay $0x1  }
0x9a: {  	s5 =	simm.s32 $_scs_section_size  }
0x9b: {  	s6 =	simm.s32 $_size__tile_overlayer_lowered;
	s7 =	simm.s32 $_tile_overlayer_lowered  }
0x9c: {  	s22 =	simm.s32 $0x1BFF;
	s21 =	sshll.u32 s7, $0x1;
	s4 =	sadd.s32 s5, s19  }
0x9d: {  	s8 =	simm.s32 $0x0;
	s20 =	sshll.u32 s6, $0x1;
	s6 =	sadd.s32 s21, s4  }
0x9e: {  	[timem:s8], [sflag:s22] =	dma.local [hbm:s6], s20  }
0x9f: {  	_ =	swait.ge [sflag:s22], s20  }
0xa0: {  	s5 =	ssub.s32 $0x0, s20;
	[sflag:s22] =	ssyncset.done $0x0  }
0xa1: {  	[sflag:s22] =	ssyncadd.s32 s5;
	_ =	sdelay $0x1  }
0xa2: {  	s23 =	simm.s32 $0x1B8B  }
0xa3: {  	_ =	swait.ge [sflag:s23], $0x1  }
0xa4: {  	[sflag:s23] =	ssyncset.done $0x0  }
0xa5: {  	s25 =	simm.s32 $0x1B8E;
	s24 =	sld [smem:$0x3FFE];
	[sflag:s23] =	ssyncadd.s32 $0xFFFFFFFF  }
0xa6: {  	s26 =	simm.s32 $execute0_lowered;
	[smem:$0x3FD2] =	sst s25  }
0xa7: {  	s6 =	sshll.u32 s26, $0x1;
	_ =	strace $0x80000046;
	[dreg:$0x1] =	wrdreg $0xFFFFFFFF  }
0xa8: {  	s28 =	simm.s32 $_size_execute0_lowered;
	s4 =	sadd.s32 s4, s6;
	[dreg:$0x0] =	wrdreg $0x0  }
0xa9: {  	s6 =	sshll.u32 s28, $0x1;
	[dreg:$0x2] =	wrdreg s4  }
0xaa: {  	[dreg:$0x3] =	wrdreg s6  }
0xab: {  	[dreg:$0x4] =	wrdreg $0xC0  }
0xac: {  	_ =	task [dreg:s8], $0x5FFFF  }
0xad: {  	[dreg:$0x1] =	wrdreg $0xFFFFFFFF  }
0xae: {  	[dreg:$0x0] =	wrdreg $0x60  }
0xaf: {  	[dreg:$0x2] =	wrdreg s2  }
0xb0: {  	[dreg:$0x3] =	wrdreg s18  }
0xb1: {  	[dreg:$0x4] =	wrdreg s24  }
0xb2: {  	[dreg:$0x5] =	wrdreg $0x9  }
0xb3: {  	_ =	task.clear_ibuf [dreg:s8], $0x6FFFF;
	_ =	strace $0x90000046  }
0xb4: {  	s29 =	simm.s32 $0x9;
	_ =	strace $0x80000048  }
0xb5: {  	_ =	swait.ge [sflag:s29], $0x1  }
0xb6: {  	[sflag:s29] =	ssyncadd.s32 $0xFFFFFFFF  }
0xb7: {  	_ =	strace $0x90000048  }
0xb8: {  	_ =	sfence  }
0xb9: {  	s30 =	sld [smem:$0x0];
	_ =	sdelay $0x2  }
0xba: {  	s31 =	sshll.u32 s1, $0xD;
	s1 =	sshrl.u32 s1, $0x2  }
0xbb: {  	s3 =	sand.u32 $0x4000, s31;
	s1 =	sadd.s32 s1, s30  }
0xbc: {  	s0 =	sor.u32 s3, s0;
	s1 =	sshll.u32 s1, $0x11  }
0xbd: {  	s0 =	sor.u32 s1, s0  }
0xbe: {  	s0 =	sadd.s32 $0x8F2B, s0  }
0xbf: {  	[sflag:s0] =	ssyncadd.remote.s32 $0x1  }
0xc0: {  	_ =	sfence.sel $0xFFFF  }
0xc1: {  	[dreg:$0x0] =	wrdreg $0xFFFFFFFF;
	(pc) =	sbr.abs _section_cstart, $3  }
0xc2: {  	[dreg:$0x1] =	wrdreg $0xFFFFFFFF  }
0xc3: {  	_ =	task.clear_ibuf [dreg:s8], $0x2FFFF;
	_ =	strace $0x9FFFFFFF  }
0xc4: {  	(tm) =	ssettm $0x7FFFFFFF  }
0xc5: {  	_ =	shalt  }
tec
execute0_lowered:
.L_overlay_start_1:
0x0: {  	(tag) =	ssettag $0x1  }
0x1: {  	s3 =	rddreg [dreg:$0x0]  }
0x2: {  	s4 =	rddreg [dreg:$0x1];
	s1 =	srdreg.scid  }
0x3: {  	s0 =	stileid.u32;
	s5 =	rddreg [dreg:$0x2];
	s2 =	simm.s32 $0x0  }
0x4: {  	s11 =	simm.s32 $0x2;
	s12 =	simm.s32 $0x3;
	s13 =	simm.s32 $0x300  }
0x5: {  	s14 =	simm.s32 $0x4;
	s6 =	sand.u32 $0x1, s1;
	s1 =	rddreg [dreg:$0x3]  }
0x6: {  	s15 =	simm.s32 $0x0;
	s7 =	sshll.u32 s0, $0x1;
	[smem:$0x7FF] =	sst s2  }
0x7: {  	s7 =	sor.u32 s6, s7;
	_ =	strace $0x80000047;
	s6 =	ssub.s32 $0x2, s6  }
0x8: {  	s8 =	sshll.u32 s7, $0x6;
	s9 =	sshll.u32 s7, $0x8;
	s10 =	sshrl.u32 s6, $0x1  }
0x9: {  	s7 =	sshll.u32 s7, $0x4;
	s8 =	sadd.s32 s8, s5;
	s9 =	sadd.s32 s9, s5  }
0xa: {  	s10 =	ssub.s32 s6, s10;
	s3 =	sadd.s32 s3, s7;
	s4 =	sadd.s32 s4, s7  }
0xb: {  	s5 =	sadd.s32 $0xC00, s8;
	s6 =	sadd.s32 $0x1400, s9;
	s7 =	smax.u32 s10, $0x1  }
0xc: {  	v0 =	vimm.f32 $0.0e+00;
	s8 =	simm.s32 $0x80;
	s9 =	simm.s32 $0x100;
	s10 =	simm.s32 $0x1  }
.LBB2_1:
0xd: {  	[tilespmem:s2], [sflag:$0x1] =	stream.linear.gather [hbm4b:s3+s2], $0x80, $0x38;
	[tilespmem:$0xB00] =	vst v63  }
0xe: {  	_ = 	snop  }
0xf: {  	[tilespmem:s8], [sflag:$0x2] =	stream.linear.gather [hbm4b:s4+s2], $0x80, $0x38;
	[tilespmem:$0xB00] =	vst v63  }
0x10: {  	_ = 	snop  }
0x11: {  	[tilespmem:s9], [sflag:$0x3] =	stream.linear.gather [hbm4b:s5+s2], $0x200, $0x38;
	[tilespmem:$0xB00] =	vst v63  }
0x12: {  	_ =	swait.ge [sflag:s10], $0x80  }
0x13: {  	[sflag:s10] =	ssyncset.done $0x0  }
0x14: {  	[sflag:s10] =	ssyncadd.s32 $0xFFFFFF80  }
0x15: {  	_ =	swait.ge [sflag:s11], $0x80  }
0x16: {  	[sflag:s11] =	ssyncset.done $0x0  }
0x17: {  	[sflag:s11] =	ssyncadd.s32 $0xFFFFFF80  }
0x18: {  	_ =	swait.ge [sflag:s12], $0x200  }
0x19: {  	[sflag:s12] =	ssyncset.done $0x0  }
0x1a: {  	s18 =	simm.s32 $0x0;
	[sflag:s12] =	ssyncadd.s32 $0xFFFFFE00  }
0x1b: {  	v1 =	vld [tilespmem:s18+$0x0];
	_ =	sdelay $0x4  }
0x1c: {  	v5 =	vsub.f32 $0.0e+00, v1;
	_ =	sdelay $0x1  }
0x1d: {  	v1 =	vmul.f32 $1.442695020e+00, v5;
	_ =	sdelay $0x1  }
0x1e: {  	(erf) = vpow2.f32 v1;
	_ =	sdelay $0x8  }
0x1f: {  	v1 =	vpop (erf)  }
0x20: {  	v1 =	vadd.f32 $1.000000000e+00, v1;
	_ =	sdelay $0x1  }
0x21: {  	v2 =	vand.u32 $0x7FFFFF, v1  }
0x22: {  	v2 =	vor.u32 $0x3F800000, v2  }
0x23: {  	vm0 =	vgt.f32 v2, $1.414213540e+00  }
0x24: {  	v6 =	vsel vm0, $0x3F800000, v0  }
0x25: {  	v3 =	vmul.f32 $5.000000000e-01, v6;
	_ =	sdelay $0x1  }
0x26: {  	s17 =	simm.s32 $0x10;
	v3 =	vsub.f32 $1.000000000e+00, v3  }
0x27: {  	v4 =	vld [tilespmem:s17+$0x0]  }
0x28: {  	v2 =	vmul.f32 v2, v3;
	_ =	sdelay $0x1  }
0x29: {  	v2 =	vadd.f32 $-1.000000000e+00, v2;
	_ =	sdelay $0x1  }
0x2a: {  	v4 =	vsub.f32 $0.0e+00, v4;
	v3 =	vmul.f32 $7.037683580e-02, v2;
	_ =	sdelay $0x1  }
0x2b: {  	v7 =	vmul.f32 $1.442695020e+00, v4;
	v3 =	vadd.f32 $-1.151461010e-01, v3;
	_ =	sdelay $0x1  }
0x2c: {  	(erf) = vpow2.f32 v7;
	v3 =	vmul.f32 v3, v2;
	_ =	sdelay $0x1  }
0x2d: {  	v3 =	vadd.f32 $1.167699840e-01, v3;
	_ =	sdelay $0x1  }
0x2e: {  	v3 =	vmul.f32 v3, v2;
	_ =	sdelay $0x1  }
0x2f: {  	v3 =	vadd.f32 $-1.242014100e-01, v3;
	_ =	sdelay $0x1  }
0x30: {  	v3 =	vmul.f32 v3, v2  }
0x31: {  	v7 =	vpop (erf)  }
0x32: {  	v12 =	vadd.f32 $1.000000000e+00, v7;
	v3 =	vadd.f32 $1.424932330e-01, v3;
	_ =	sdelay $0x1  }
0x33: {  	v7 =	vand.u32 $0x7FFFFF, v12;
	v3 =	vmul.f32 v3, v2  }
0x34: {  	v7 =	vor.u32 $0x3F800000, v7  }
0x35: {  	s16 =	simm.s32 $0x20;
	vm9 =	vgt.f32 v7, $1.414213540e+00;
	v3 =	vadd.f32 $-1.666805740e-01, v3  }
0x36: {  	v8 =	vld [tilespmem:s16+$0x0];
	v11 =	vsel vm9, $0x3F800000, v0  }
0x37: {  	v9 =	vmul.f32 $5.000000000e-01, v11;
	v3 =	vmul.f32 v3, v2;
	_ =	sdelay $0x1  }
0x38: {  	v9 =	vsub.f32 $1.000000000e+00, v9;
	v10 =	vadd.f32 $2.000071410e-01, v3;
	_ =	sdelay $0x1  }
0x39: {  	v7 =	vmul.f32 v7, v9;
	v3 =	vsub.f32 $0.0e+00, v8;
	v8 =	vmul.f32 v10, v2;
	_ =	sdelay $0x1  }
0x3a: {  	v20 =	vadd.f32 $-1.000000000e+00, v7;
	v7 =	vadd.f32 $-2.499999400e-01, v8  }
0x3b: {  	v9 =	vmul.f32 $1.442695020e+00, v3  }
0x3c: {  	v8 =	vmul.f32 v2, v2;
	v7 =	vmul.f32 v7, v2  }
0x3d: {  	(erf) = vpow2.f32 v9;
	v9 =	vmul.f32 $7.037683580e-02, v20  }
0x3e: {  	v14 =	vmul.f32 v8, v2;
	v7 =	vadd.f32 $3.333333130e-01, v7  }
0x3f: {  	v13 =	vld [tilespmem:s18+$0x80];
	v10 =	vshra.s32 v1, $0x17;
	(erf) = vrcp.f32 v1;
	v9 =	vadd.f32 $-1.151461010e-01, v9  }
0x40: {  	v10 =	vadd.s32 $0xFFFFFF81, v10;
	v8 =	vmul.f32 $5.000000000e-01, v8;
	v7 =	vmul.f32 v7, v14  }
0x41: {  	v32 =	vimm.f32 $0.0e+00;
	v10 =	vcvt.s32.f32 v10;
	v1 =	vld [tilespmem:s17+$0x80];
	v9 =	vmul.f32 v9, v20  }
0x42: {  	v35 =	vimm.f32 $0.0e+00;
	v33 =	vimm.f32 $0.0e+00;
	v15 =	vld [tilespmem:s18+$0x100];
	v7 =	vsub.f32 v7, v8  }
0x43: {  	v34 =	vimm.f32 $0.0e+00;
	v6 =	vadd.f32 v10, v6;
	v14 =	vld [tilespmem:s16+$0x80];
	v9 =	vadd.f32 $1.167699840e-01, v9  }
0x44: {  	v31 =	vimm.f32 $0.0e+00;
	vm10 =	veq.s32 v13, $0x1;
	v13 =	vld [tilespmem:s18+$0x280];
	v7 =	vadd.f32 v7, v2  }
0x45: {  	v28 =	vimm.f32 $0.0e+00;
	v30 =	vimm.f32 $0.0e+00;
	v10 =	vld [tilespmem:s18+$0x180];
	v6 =	vmul.f32 $6.931471820e-01, v6  }
0x46: {  	v29 =	vimm.f32 $0.0e+00;
	vm1 =	veq.s32 v1, $0x1;
	v8 =	vld [tilespmem:s18+$0x200];
	v1 =	vmul.f32 v9, v20  }
0x47: {  	v17 =	vsel vm10, $0x3F800000, v0;
	v2 =	vsel vm1, $0x3F800000, v0;
	v9 =	vpop (erf);
	v6 =	vadd.f32 v7, v6  }
0x48: {  	vm11 =	veq.s32 v14, $0x1;
	v14 =	vadd.f32 $-1.242014100e-01, v1;
	v18 =	vadd.f32 $1.000000000e+00, v9;
	v7 =	vpop (erf)  }
0x49: {  	v1 =	vsel vm11, $0x3F800000, v0;
	v38 =	vsub.f32 v5, v6;
	vm12 =	vlt.f32 v15, v7  }
0x4a: {  	vm13 =	vlt.f32 v10, v7;
	v10 =	vmul.f32 v14, v20;
	v14 =	vsub.f32 $0.0e+00, v6  }
0x4b: {  	v16 =	vld [tilespmem:s17+$0x100];
	vm2 =	vlt.f32 v8, v7;
	vm14 =	vlt.f32 v13, v7;
	v8 =	vand.u32 $0x7FFFFF, v18  }
0x4c: {  	v19 =	vld [tilespmem:s17+$0x180];
	v26 =	vsel vm12, $0x3F800000, v0;
	v24 =	vsel vm13, $0x3F800000, v0;
	v25 =	vsel vm14, $0x3F800000, v0  }
0x4d: {  	v21 =	vld [tilespmem:s17+$0x200];
	s18 =	simm.s32 $0x30;
	v27 =	vsel vm2, $0x3F800000, v0;
	v45 =	vor.u32 $0x3F800000, v8;
	v5 =	vadd.f32 $1.424932330e-01, v10  }
0x4e: {  	v37 =	vld [tilespmem:s18+$0x0];
	v6 =	vsub.f32 v14, v38;
	v7 =	vsub.f32 $1.000000000e+00, v26;
	vm15 =	vgt.f32 v45, $1.414213540e+00  }
0x4f: {  	v46 =	vld [tilespmem:s18+$0x80];
	v13 =	vsub.f32 $1.000000000e+00, v24;
	v48 =	vsub.f32 $1.000000000e+00, v27;
	v5 =	vmul.f32 v5, v20  }
0x50: {  	v10 =	vld [tilespmem:s16+$0x100];
	v22 =	vsel vm15, $0x3F800000, v0;
	v9 =	vmul.f32 v6, v25;
	v41 =	vmul.f32 v6, v26  }
0x51: {  	v42 =	vmul.f32 v6, v24;
	v44 =	vmul.f32 v6, v27;
	v6 =	vld [tilespmem:s18+$0x100];
	v5 =	vadd.f32 $-1.666805740e-01, v5  }
0x52: {  	v47 =	vsub.f32 $1.000000000e+00, v25;
	v14 =	vmul.f32 $5.000000000e-01, v22;
	v43 =	vmul.f32 v7, v17;
	v7 =	vld [tilespmem:s18+$0x180]  }
0x53: {  	v40 =	vmul.f32 v13, v17;
	v8 =	vadd.f32 v9, v38;
	v9 =	vld [tilespmem:s16+$0x180];
	v23 =	vmul.f32 v5, v20  }
0x54: {  	v13 =	vimm.f32 $0.0e+00;
	v49 =	vsub.f32 $1.000000000e+00, v14;
	v14 =	vimm.f32 $0.0e+00;
	v5 =	vld [tilespmem:s16+$0x200]  }
0x55: {  	s19 =	simm.s32 $0x100;
	v36 =	vmovc v20;
	v15 =	vadd.f32 v8, v0;
	v8 =	vld [tilespmem:s18+$0x200];
	v50 =	vadd.f32 $2.000071410e-01, v23;
	v23 =	vimm.f32 $0.0e+00  }
.LBB2_2:
0x56: {  	v39 =	vmov v20  }
0x57: {  	p0 =	sne.s32 s19, $0x1C0;
	v37 =	vsub.f32 $0.0e+00, v37;
	v41 =	vadd.f32 v41, v38;
	v48 =	vmul.f32 v48, v17  }
0x58: {  	v42 =	vadd.f32 v42, v38;
	v20 =	vmul.f32 v45, v49;
	v45 =	vmul.f32 v50, v36  }
0x59: {  	v38 =	vadd.f32 v44, v38;
	v44 =	vmul.f32 v47, v17;
	v17 =	vmovc v2;
	v2 =	vmovc v1;
	v49 =	vmul.f32 $1.442695020e+00, v37  }
0x5a: {  	v32 =	vmax.f32 v32, v43;
	v20 =	vadd.f32 $-1.000000000e+00, v20;
	v1 =	vadd.f32 $-2.499999400e-01, v45  }
0x5b: {  	v39 =	vmul.f32 v39, v36;
	vm0 =	veq.s32 v46, $0x1;
	(erf) = vpow2.f32 v49  }
0x5c: {  	v45 =	vshra.s32 v12, $0x17;
	v43 =	vmul.f32 $7.037683580e-02, v20;
	v46 =	vmul.f32 v1, v36  }
0x5d: {  	v45 =	vadd.s32 $0xFFFFFF81, v45;
	v1 =	vsel vm0, $0x3F800000, v0;
	(erf) = vrcp.f32 v12;
	v12 =	vmovc v18  }
0x5e: {  	v18 =	vadd.f32 $-1.151461010e-01, v43;
	v43 =	vadd.f32 $3.333333130e-01, v46;
	v46 =	vmul.f32 v39, v36  }
0x5f: {  	v35 =	vadd.f32 v41, v35;
	v45 =	vcvt.s32.f32 v45;
	v39 =	vmul.f32 $5.000000000e-01, v39  }
0x60: {  	v33 =	vadd.f32 v42, v33;
	v18 =	vmul.f32 v18, v20;
	v41 =	vmul.f32 v43, v46  }
0x61: {  	v23 =	vmax.f32 v23, v40;
	v34 =	vadd.f32 v38, v34;
	v42 =	vadd.f32 v45, v11;
	v11 =	vmovc v22  }
0x62: {  	v13 =	vmax.f32 v13, v48;
	v18 =	vadd.f32 $1.167699840e-01, v18;
	v22 =	vsub.f32 v41, v39  }
0x63: {  	v31 =	vadd.f32 v26, v31;
	v28 =	vadd.f32 v24, v28;
	v14 =	vmax.f32 v14, v44  }
0x64: {  	v26 =	vmul.f32 $6.931471820e-01, v42;
	v18 =	vmul.f32 v18, v20;
	v22 =	vadd.f32 v22, v36;
	v24 =	vpop (erf)  }
0x65: {  	v30 =	vadd.f32 v27, v30;
	v29 =	vadd.f32 v25, v29;
	v36 =	vmov v20;
	v39 =	vld [tilespmem:s17+$0x280];
	s17 =	smov.u32 s16;
	s16 =	smov.u32 s18  }
0x66: {  	v18 =	vadd.f32 $-1.242014100e-01, v18;
	v22 =	vadd.f32 v22, v26;
	v25 =	vpop (erf)  }
0x67: {  	vm0 =	vlt.f32 v16, v25;
	vm1 =	vlt.f32 v19, v25;
	vm2 =	vlt.f32 v21, v25;
	v16 =	vmovc v10  }
0x68: {  	v41 =	vmul.f32 v18, v36;
	v27 =	vsub.f32 $0.0e+00, v22;
	v38 =	vsub.f32 v4, v22;
	v4 =	vmovc v3;
	v3 =	vmovc v37  }
0x69: {  	v18 =	vadd.f32 $1.000000000e+00, v24;
	v10 =	vmovc v6;
	v19 =	vmovc v9;
	v26 =	vsel vm0, $0x3F800000, v0;
	v24 =	vsel vm1, $0x3F800000, v0  }
0x6a: {  	v9 =	vmovc v7;
	v21 =	vmovc v5;
	v6 =	vadd.f32 $1.424932330e-01, v41;
	v40 =	vsub.f32 v27, v38;
	vm0 =	vlt.f32 v39, v25  }
0x6b: {  	v5 =	vmovc v8;
	v27 =	vsel vm2, $0x3F800000, v0;
	v39 =	vsub.f32 $1.000000000e+00, v26;
	v25 =	vsel vm0, $0x3F800000, v0  }
0x6c: {  	v7 =	vand.u32 $0x7FFFFF, v18;
	v6 =	vmul.f32 v6, v36;
	v8 =	vmul.f32 v40, v25  }
0x6d: {  	s18 =	sshra.s32 s19, $0x2;
	v45 =	vor.u32 $0x3F800000, v7;
	v41 =	vmul.f32 v40, v26;
	v42 =	vmul.f32 v40, v24  }
.Ltmp0:
0x6e: {  	vm0 =	vgt.f32 v45, $1.414213540e+00;
	v43 =	vadd.f32 $-1.666805740e-01, v6;
	v37 =	vld [tilespmem:s18+$0x0];
	v8 =	vadd.f32 v8, v38;
	(pc) =	sbr.rel @p0 .LBB2_2-.Ltmp0, $4  }
0x6f: {  	v51 =	vsub.f32 $1.000000000e+00, v24;
	v44 =	vmul.f32 v40, v27;
	v22 =	vsel vm0, $0x3F800000, v0;
	v6 =	vld [tilespmem:s18+$0x100]  }
0x70: {  	v40 =	vmul.f32 $5.000000000e-01, v22;
	v50 =	vmul.f32 v43, v36;
	v7 =	vld [tilespmem:s18+$0x180];
	v15 =	vadd.f32 v8, v15  }
0x71: {  	v48 =	vsub.f32 $1.000000000e+00, v27;
	v47 =	vsub.f32 $1.000000000e+00, v25;
	v43 =	vmul.f32 v39, v17;
	v8 =	vld [tilespmem:s18+$0x200]  }
0x72: {  	s19 =	sadd.s32 $0x40, s19;
	v49 =	vsub.f32 $1.000000000e+00, v40;
	v40 =	vmul.f32 v51, v17;
	v50 =	vadd.f32 $2.000071410e-01, v50;
	v46 =	vld [tilespmem:s18+$0x80]  }
0x73: {  	v37 =	vsub.f32 $0.0e+00, v37;
	_ =	sdelay $0x1  }
0x74: {  	v39 =	vmul.f32 $1.442695020e+00, v37;
	_ =	sdelay $0x1  }
0x75: {  	(erf) = vpow2.f32 v39;
	_ =	sdelay $0x2  }
0x76: {  	v45 =	vmul.f32 v45, v49;
	_ =	sdelay $0x1  }
0x77: {  	v45 =	vadd.f32 $-1.000000000e+00, v45  }
0x78: {  	v51 =	vmul.f32 v20, v36;
	v61 =	vmul.f32 v50, v36  }
0x79: {  	v41 =	vadd.f32 v41, v38;
	v42 =	vadd.f32 v42, v38;
	v52 =	vmul.f32 $7.037683580e-02, v45  }
0x7a: {  	v63 =	vshra.s32 v12, $0x17;
	v26 =	vadd.f32 v26, v31;
	v49 =	vadd.f32 $-2.499999400e-01, v61  }
0x7b: {  	v47 =	vmul.f32 v47, v17;
	v24 =	vadd.f32 v24, v28;
	v52 =	vadd.f32 $-1.151461010e-01, v52;
	v39 =	vpop (erf)  }
0x7c: {  	v27 =	vadd.f32 v27, v30;
	v49 =	vmul.f32 v49, v36;
	v39 =	vadd.f32 $1.000000000e+00, v39  }
0x7d: {  	v25 =	vadd.f32 v25, v29;
	v54 =	vmul.f32 v51, v36;
	v52 =	vmul.f32 v52, v45  }
0x7e: {  	v35 =	vadd.f32 v41, v35;
	v49 =	vadd.f32 $3.333333130e-01, v49;
	v62 =	vand.u32 $0x7FFFFF, v39  }
0x7f: {  	v56 =	vmul.f32 $5.000000000e-01, v51;
	v52 =	vadd.f32 $1.167699840e-01, v52;
	v50 =	vor.u32 $0x3F800000, v62  }
0x80: {  	v49 =	vmul.f32 v49, v54;
	(erf) = vrcp.f32 v12;
	vm0 =	vgt.f32 v50, $1.414213540e+00  }
0x81: {  	v12 =	vadd.s32 $0xFFFFFF81, v63;
	v55 =	vmul.f32 v52, v45;
	v20 =	vsel vm0, $0x3F800000, v0  }
0x82: {  	v33 =	vadd.f32 v42, v33;
	v12 =	vcvt.s32.f32 v12;
	v53 =	vmul.f32 $5.000000000e-01, v20  }
0x83: {  	v41 =	vmul.f32 v48, v17;
	v58 =	vsub.f32 v49, v56;
	v57 =	vadd.f32 $-1.242014100e-01, v55  }
0x84: {  	v14 =	vmax.f32 v14, v47;
	v11 =	vadd.f32 v12, v11;
	v53 =	vsub.f32 $1.000000000e+00, v53  }
0x85: {  	v54 =	vadd.f32 v44, v38;
	v12 =	vmax.f32 v32, v43;
	v17 =	vmul.f32 v57, v45  }
0x86: {  	v32 =	vadd.f32 v58, v36;
	v59 =	vmul.f32 $6.931471820e-01, v11;
	v50 =	vmul.f32 v50, v53  }
0x87: {  	v61 =	vld [tilespmem:s17+$0x280];
	vm5 =	veq.s32 v46, $0x1;
	v34 =	vadd.f32 v54, v34;
	v17 =	vadd.f32 $1.424932330e-01, v17  }
0x88: {  	v13 =	vmax.f32 v13, v41;
	v32 =	vadd.f32 v32, v59;
	v43 =	vadd.f32 $-1.000000000e+00, v50  }
0x89: {  	v11 =	vsel vm5, $0x3F800000, v0;
	v63 =	vmul.f32 v17, v45;
	v17 =	vmax.f32 v23, v40  }
0x8a: {  	v38 =	vsub.f32 $0.0e+00, v32;
	v44 =	vpop (erf);
	v4 =	vsub.f32 v4, v32;
	v60 =	vmul.f32 $7.037683580e-02, v43  }
0x8b: {  	v28 =	vadd.f32 $-1.666805740e-01, v63;
	vm6 =	vlt.f32 v16, v44;
	vm1 =	vlt.f32 v19, v44  }
0x8c: {  	vm2 =	vlt.f32 v61, v44;
	vm7 =	vlt.f32 v21, v44;
	v62 =	vadd.f32 $-1.151461010e-01, v60  }
0x8d: {  	v61 =	vshra.s32 v18, $0x17;
	v48 =	vsub.f32 v38, v4;
	v49 =	vsel vm2, $0x3F800000, v0  }
0x8e: {  	v52 =	vsel vm1, $0x3F800000, v0;
	v54 =	vsel vm7, $0x3F800000, v0;
	v42 =	vmul.f32 v62, v43  }
0x8f: {  	v44 =	vadd.s32 $0xFFFFFF81, v61;
	v56 =	vsub.f32 $1.000000000e+00, v52;
	v59 =	vsub.f32 $1.000000000e+00, v54  }
0x90: {  	v28 =	vmul.f32 v28, v45;
	v24 =	vadd.f32 v52, v24;
	v46 =	vadd.f32 $1.167699840e-01, v42  }
0x91: {  	v44 =	vcvt.s32.f32 v44;
	v27 =	vadd.f32 v54, v27;
	v25 =	vadd.f32 v49, v25  }
0x92: {  	v50 =	vsel vm6, $0x3F800000, v0;
	v51 =	vmul.f32 v48, v49;
	v16 =	vmul.f32 v46, v43  }
0x93: {  	v57 =	vmul.f32 v48, v52;
	v19 =	vmul.f32 v48, v54;
	v28 =	vadd.f32 $2.000071410e-01, v28  }
0x94: {  	v53 =	vsub.f32 $1.000000000e+00, v50;
	v55 =	vmul.f32 v48, v50;
	v16 =	vadd.f32 $-1.242014100e-01, v16  }
0x95: {  	v22 =	vadd.f32 v44, v22;
	v21 =	vadd.f32 v50, v26;
	v28 =	vmul.f32 v28, v45  }
0x96: {  	v23 =	vadd.f32 v51, v4;
	v40 =	vadd.f32 v57, v4;
	v16 =	vmul.f32 v16, v43  }
0x97: {  	(erf) = vrcp.f32 v18;
	v36 =	vadd.f32 v55, v4;
	v58 =	vadd.f32 $-2.499999400e-01, v28  }
0x98: {  	v48 =	vmul.f32 v43, v43;
	v4 =	vadd.f32 v19, v4;
	v16 =	vadd.f32 $1.424932330e-01, v16  }
0x99: {  	v15 =	vadd.f32 v23, v15;
	v60 =	vmul.f32 v45, v45;
	v23 =	vmul.f32 v58, v45  }
0x9a: {  	v22 =	vmul.f32 $6.931471820e-01, v22;
	v41 =	vadd.f32 v40, v33;
	v16 =	vmul.f32 v16, v43  }
0x9b: {  	v50 =	vmul.f32 v48, v43;
	v63 =	vmul.f32 v60, v45;
	v62 =	vadd.f32 $3.333333130e-01, v23  }
0x9c: {  	v46 =	vsub.f32 $1.000000000e+00, v49;
	v49 =	vshra.s32 v39, $0x17;
	v16 =	vadd.f32 $-1.666805740e-01, v16  }
0x9d: {  	v42 =	vmul.f32 $5.000000000e-01, v60;
	v18 =	vmul.f32 v62, v63;
	v31 =	vadd.s32 $0xFFFFFF81, v49  }
0x9e: {  	v44 =	vld [tilespmem:s16+$0x280];
	v19 =	vadd.f32 v36, v35;
	v51 =	vcvt.s32.f32 v31;
	v16 =	vmul.f32 v16, v43  }
0x9f: {  	v4 =	vadd.f32 v4, v34;
	v28 =	vmul.f32 v59, v2;
	v18 =	vsub.f32 v18, v42  }
0xa0: {  	v42 =	vmul.f32 v53, v2;
	v20 =	vadd.f32 v51, v20;
	v16 =	vadd.f32 $2.000071410e-01, v16  }
0xa1: {  	v51 =	vmax.f32 v13, v28;
	v18 =	vadd.f32 v18, v45;
	v45 =	vpop (erf);
	(erf) = vrcp.f32 v39  }
0xa2: {  	v12 =	vmax.f32 v12, v42;
	vm8 =	vlt.f32 v10, v45;
	v16 =	vmul.f32 v16, v43  }
0xa3: {  	vm9 =	vlt.f32 v9, v45;
	vm10 =	vlt.f32 v44, v45;
	v9 =	vmul.f32 $5.000000000e-01, v48  }
0xa4: {  	vm11 =	vlt.f32 v5, v45;
	v20 =	vmul.f32 $6.931471820e-01, v20;
	v16 =	vadd.f32 $-2.499999400e-01, v16  }
0xa5: {  	v18 =	vadd.f32 v18, v22;
	v22 =	vmul.f32 v56, v2;
	v53 =	vsel vm9, $0x3F800000, v0  }
0xa6: {  	v31 =	vsel vm10, $0x3F800000, v0;
	v56 =	vsub.f32 $1.000000000e+00, v53;
	v16 =	vmul.f32 v16, v43  }
0xa7: {  	v47 =	vsub.f32 $0.0e+00, v18;
	v3 =	vsub.f32 v3, v18;
	v18 =	vsel vm8, $0x3F800000, v0  }
0xa8: {  	v54 =	vsel vm11, $0x3F800000, v0;
	v5 =	vsub.f32 $1.000000000e+00, v18;
	v16 =	vadd.f32 $3.333333130e-01, v16  }
0xa9: {  	v2 =	vmul.f32 v46, v2;
	v58 =	vsub.f32 $1.000000000e+00, v54;
	v10 =	vsub.f32 v47, v3  }
0xaa: {  	v59 =	vsub.f32 $1.000000000e+00, v31;
	v5 =	vmul.f32 v5, v1;
	v16 =	vmul.f32 v16, v50  }
0xab: {  	v52 =	vmul.f32 v10, v31;
	v55 =	vmul.f32 v10, v18;
	v18 =	vadd.f32 v18, v21  }
0xac: {  	v57 =	vmul.f32 v10, v53;
	v53 =	vadd.f32 v53, v24;
	v9 =	vsub.f32 v16, v9  }
0xad: {  	v62 =	vld [tilespmem:s18+$0x280];
	v10 =	vmul.f32 v10, v54;
	v54 =	vadd.f32 v54, v27;
	v29 =	vadd.f32 v52, v3  }
0xae: {  	v2 =	vmax.f32 v14, v2;
	v60 =	vadd.f32 v55, v3;
	v9 =	vadd.f32 v9, v43  }
0xaf: {  	v40 =	vpop (erf);
	v5 =	vmax.f32 v12, v5;
	v61 =	vadd.f32 v57, v3;
	v3 =	vadd.f32 v10, v3  }
0xb0: {  	vm12 =	vlt.f32 v6, v40;
	vm13 =	vlt.f32 v7, v40;
	v9 =	vadd.f32 v9, v20  }
0xb1: {  	vm14 =	vlt.f32 v8, v40;
	v55 =	vmul.f32 v56, v1;
	v56 =	vadd.f32 v31, v25  }
0xb2: {  	vm15 =	vlt.f32 v62, v40;
	v63 =	vsub.f32 $0.0e+00, v9;
	v9 =	vsub.f32 v37, v9  }
0xb3: {  	v7 =	vsel vm13, $0x3F800000, v0;
	v45 =	vsel vm14, $0x3F800000, v0;
	v15 =	vadd.f32 v29, v15  }
0xb4: {  	v47 =	vsel vm15, $0x3F800000, v0;
	v39 =	vadd.f32 v60, v19;
	v42 =	vsub.f32 v63, v9  }
0xb5: {  	v41 =	vadd.f32 v61, v41;
	v3 =	vadd.f32 v3, v4;
	v43 =	vsel vm12, $0x3F800000, v0  }
0xb6: {  	v13 =	vadd.f32 v7, v53;
	v4 =	vsub.f32 $1.000000000e+00, v43;
	v44 =	vmul.f32 v42, v43  }
0xb7: {  	v14 =	vadd.f32 v47, v56;
	v57 =	vadd.f32 v43, v18;
	v48 =	vmul.f32 v42, v45  }
0xb8: {  	[tilespmem:$0x580] =	vst v13;
	v4 =	vmul.f32 v4, v11;
	v46 =	vmul.f32 v42, v7;
	v8 =	vadd.f32 v44, v9  }
0xb9: {  	v60 =	vsub.f32 $1.000000000e+00, v45;
	[tilespmem:$0x680] =	vst v14;
	v6 =	vmul.f32 v42, v47;
	v50 =	vadd.f32 v48, v9  }
0xba: {  	[tilespmem:$0x500] =	vst v57;
	v4 =	vmax.f32 v5, v4;
	v49 =	vadd.f32 v46, v9;
	v8 =	vadd.f32 v8, v39  }
0xbb: {  	[tilespmem:$0x700] =	vst v4;
	v6 =	vadd.f32 v6, v9;
	v3 =	vadd.f32 v50, v3  }
0xbc: {  	v61 =	vsub.f32 $1.000000000e+00, v47;
	v52 =	vadd.f32 v49, v41;
	[tilespmem:$0x300] =	vst v8  }
0xbd: {  	v6 =	vadd.f32 v6, v15;
	[tilespmem:$0x400] =	vst v3;
	v3 =	vmul.f32 v58, v1;
	v1 =	vmul.f32 v59, v1  }
0xbe: {  	[tilespmem:$0x380] =	vst v52;
	v58 =	vsub.f32 $1.000000000e+00, v7;
	v59 =	vadd.f32 v45, v54;
	v8 =	vmul.f32 v60, v11  }
0xbf: {  	v17 =	vmax.f32 v17, v22;
	v63 =	vmul.f32 v61, v11;
	[tilespmem:$0x480] =	vst v6;
	v3 =	vmax.f32 v51, v3  }
0xc0: {  	v6 =	vmul.f32 v58, v11;
	[tilespmem:$0x600] =	vst v59;
	v1 =	vmax.f32 v2, v1;
	v2 =	vmax.f32 v3, v8  }
0xc1: {  	s15 =	sadd.s32 $0x1, s15;
	v62 =	vmax.f32 v17, v55;
	v1 =	vmax.f32 v1, v63;
	[tilespmem:$0x800] =	vst v2  }
0xc2: {  	p0 =	sne.s32 s15, s7;
	v6 =	vmax.f32 v62, v6;
	[tilespmem:$0x880] =	vst v1  }
.Ltmp1:
0xc3: {  	[tilespmem:$0x780] =	vst v6;
	(pc) =	sbr.rel @p0 .LBB2_1-.Ltmp1, $4  }
0xc4: {  	[hbm4b:s6+s2] =	stream.linear.scatter [tilespmem:s13], [sflag:$0x4], $0x600, $0x38;
	[tilespmem:$0xB00] =	vst v63  }
0xc5: {  	_ =	swait.ge [sflag:s14], $0x600  }
0xc6: {  	[sflag:s14] =	ssyncset.done $0x0  }
0xc7: {  	[sflag:s14] =	ssyncadd.s32 $0xFFFFFA00  }
0xc8: {  	_ =	sfence.sel $0x180000  }
0xc9: {  	[bflag:$0x0] =	sbarrier.arrive $0xFFFF  }
0xca: {  	p0 =	sne.s32 s0, $0x0;
	_ =	strace $0x90000047  }
0xcb: {  	s0 =	sadd.s32 @!p0 $0x100000, s1;
	[bflag:$0x2] =	sbarrier.arrive $0xFFFF  }
0xcc: {  	[sflag:s0] =	ssyncadd.tile.s32 @!p0 $0x1;
	_ =	shalt  }
.Lfunc_end2:
_tile_overlayer_lowered:
.L_overlay_start_2:
0xcd: {  	(tag) =	ssettag $0x2  }
0xce: {  	s0 =	rddreg [dreg:$0x0];
	s2 =	stileid.u32  }
0xcf: {  	s1 =	rddreg [dreg:$0x1];
	p0 =	sne.s32 s2, $0x0  }
0xd0: {  	s3 =	rddreg [dreg:$0x2];
	[bflag:$0x3] =	sbarrier.arrive $0xFFFF;
	s2 =	simm.s32 @!p0 $0x1C04  }
0xd1: {  	[timem:s3], [sflag:s2] =	dma.local @!p0 [hbm:s0], s1  }
0xd2: {  	s0 =	simm.s32 @!p0 $0x4  }
0xd3: {  	_ =	swait.ge @!p0 [sflag:s0], s1  }
0xd4: {  	s1 =	ssub.s32 @!p0 $0x0, s1;
	[sflag:s0] =	ssyncset.done @!p0 $0x0  }
0xd5: {  	[sflag:s0] =	ssyncadd.s32 @!p0 s1  }
0xd6: {  	[bflag:$0x3] =	sbarrier.arrive $0xFFFF  }
0xd7: {  	_ =	shalt  }

</sc_bundles>
